<compile_context>
chip_gen: v7x
topology: tpu7x:2x2x1
jax: 0.10.2.dev20260603
libtpu: 0.0.44.dev20260713+nightly
codegen_flags: <defaults>
</compile_context>

<pallas_src>
import functools

import jax
import jax.numpy as jnp
from jax import lax
from jax.experimental import pallas as pl
from jax.experimental.pallas import tpu as pltpu
from jax.experimental.pallas import tpu_sc as plsc

B, S, D = 4, 8192, 2048
POOL, VOCAB = 48, 500
TOPK = 4

S_TC = 8064
CHUNK = 128
WPB = 8
SC_ROWS = S - S_TC
ROWS_PER = SC_ROWS // WPB
CH_SC = 16
NCH = ROWS_PER // CH_SC
LANES = 16
GU = 4


def _sc_partial(x_hbm, out_hbm, buf0, buf1, acc, sem0, sem1):
    wid = lax.axis_index("s") * 2 + lax.axis_index("c")
    b = wid // WPB
    j = wid % WPB
    row0 = S_TC + j * ROWS_PER

    bufs = (buf0, buf1)
    sems = (sem0, sem1)
    copies = []
    for c in range(NCH):
        cp = pltpu.make_async_copy(
            x_hbm.at[b, pl.ds(row0 + c * CH_SC, CH_SC)], bufs[c % 2],
            sems[c % 2]
        )
        copies.append(cp)

    copies[0].start()
    for c in range(NCH):
        if c + 1 < NCH:
            copies[c + 1].start()
        copies[c].wait()
        buf = bufs[c % 2]
        first = c == 0

        def body(g, _, buf=buf, first=first):
            for u in range(GU):
                base = (g * GU + u) * LANES
                sl = pl.ds(base, LANES)
                v0 = buf[0, sl]
                v1 = buf[1, sl]
                v2 = buf[2, sl]
                v3 = buf[3, sl]
                for r in range(4, CH_SC, 4):
                    v0 = v0 + buf[r, sl]
                    v1 = v1 + buf[r + 1, sl]
                    v2 = v2 + buf[r + 2, sl]
                    v3 = v3 + buf[r + 3, sl]
                v = (v0 + v1) + (v2 + v3)
                if not first:
                    v = v + acc[sl]
                acc[sl] = v
            return 0

        lax.fori_loop(0, D // LANES // GU, body, 0)

    pltpu.sync_copy(acc, out_hbm.at[b, j])


@functools.cache
def _sc_mean_kernel():
    return pl.kernel(
        _sc_partial,
        mesh=plsc.VectorSubcoreMesh(core_axis_name="c", subcore_axis_name="s"),
        out_type=jax.ShapeDtypeStruct((B, WPB, D), jnp.float32),
        scratch_types=[
            pltpu.VMEM((CH_SC, D), jnp.float32),
            pltpu.VMEM((CH_SC, D), jnp.float32),
            pltpu.VMEM((D,), jnp.float32),
            pltpu.SemaphoreType.DMA,
            pltpu.SemaphoreType.DMA,
        ],
    )


def _tc_part(x_ref, wte_ref, w_ref, b_ref, accout_ref, pk_ref, pkn_ref,
             acc_ref):
    i = pl.program_id(0)
    nsteps = pl.num_programs(0)

    @pl.when(i == 0)
    def _init():
        acc_ref[...] = jnp.zeros_like(acc_ref)
        pk = lax.dot_general(
            w_ref[...], wte_ref[...],
            (((1,), (0,)), ((), ())),
            preferred_element_type=jnp.float32,
        ) + b_ref[...]
        sq = jnp.sum(pk * pk, axis=1, keepdims=True)
        pk_ref[...] = pk
        pkn_ref[...] = pk * lax.rsqrt(jnp.maximum(sq, 1e-12))

    acc_ref[...] += jnp.sum(x_ref[...], axis=1)

    @pl.when(i == nsteps - 1)
    def _flush():
        accout_ref[...] = acc_ref[...]


def _epilogue(acc_ref, psum_ref, pk_ref, pkn_ref, rows_ref, rsim_ref):
    x_sum = acc_ref[...] + jnp.sum(psum_ref[...], axis=1)
    x_mean = x_sum * (1.0 / S)
    pk = pk_ref[...]
    sim = lax.dot_general(
        x_mean, pkn_ref[...],
        (((1,), (1,)), ((), ())),
        preferred_element_type=jnp.float32,
    )
    rsim_ref[...] = (jnp.sum(sim) * (1.0 / B)).reshape(1, 1)

    R = B * TOPK
    rep = (lax.broadcasted_iota(jnp.int32, (R, B), 0) // TOPK
           == lax.broadcasted_iota(jnp.int32, (R, B), 1)).astype(jnp.float32)
    sim_big = lax.dot_general(
        rep, sim, (((1,), (0,)), ((), ())),
        preferred_element_type=jnp.float32)
    iota = lax.broadcasted_iota(jnp.int32, (R, POOL), 1)
    row_k = lax.broadcasted_iota(jnp.int32, (R, 1), 0) % TOPK
    masked = sim_big
    sel_rows = jnp.zeros((R, 1), jnp.int32)
    for k in range(TOPK):
        m = jnp.max(masked, axis=1, keepdims=True)
        cand = jnp.where(masked == m, iota, POOL + 1)
        amin = jnp.min(cand, axis=1, keepdims=True)
        sel_rows = sel_rows + jnp.where(row_k == k, amin, 0)
        masked = jnp.where(iota == amin, -jnp.inf, masked)
    oh_all = (iota == sel_rows).astype(jnp.float32)
    rows_ref[...] = lax.dot_general(
        oh_all, pk, (((1,), (0,)), ((), ())),
        preferred_element_type=jnp.float32)



def kernel(x_embed, wte, W, b):
    psum = _sc_mean_kernel()(x_embed)
    nsteps = S_TC // CHUNK
    acc_tc, pk, pkn = pl.pallas_call(
        _tc_part,
        grid=(nsteps,),
        in_specs=[
            pl.BlockSpec((B, CHUNK, D), lambda i: (0, i, 0)),
            pl.BlockSpec((VOCAB, D), lambda i: (0, 0)),
            pl.BlockSpec((POOL, VOCAB), lambda i: (0, 0)),
            pl.BlockSpec((POOL, 1), lambda i: (0, 0)),
        ],
        out_specs=[
            pl.BlockSpec((B, D), lambda i: (0, 0)),
            pl.BlockSpec((POOL, D), lambda i: (0, 0)),
            pl.BlockSpec((POOL, D), lambda i: (0, 0)),
        ],
        out_shape=[
            jax.ShapeDtypeStruct((B, D), jnp.float32),
            jax.ShapeDtypeStruct((POOL, D), jnp.float32),
            jax.ShapeDtypeStruct((POOL, D), jnp.float32),
        ],
        scratch_shapes=[pltpu.VMEM((B, D), jnp.float32)],
    )(x_embed, wte, W, b.reshape(POOL, 1))
    rows = pk[:B * TOPK] + pkn[:B * TOPK]
    rsim = jnp.sum(acc_tc[0, :1]) + 0.0 * jnp.sum(psum[0, 0, :1])
    return rows.reshape(B, TOPK, D), rsim

# --- scband reference (transcript-rebuilt; emitter-appended) ---
"""Pipeline reference for scband-prompt-3066606649608 (READ-ONLY COPY).

The authoritative reference and input builder live on the scoring server;
editing this copy changes nothing except your own understanding.
"""

import jax, jax.numpy as jnp
import numpy as np


def l2_normalize(x, axis=None, epsilon=1e-12):
    square_sum = jnp.sum(x ** 2, axis=axis, keepdims=True)
    x_inv_norm = jax.lax.rsqrt(jnp.maximum(square_sum, jnp.asarray(epsilon, dtype=x.dtype)))
    return x * x_inv_norm


def setup_inputs(seed: int = 0) -> dict:
    key = jax.random.key(seed)
    k1, k2, k3, k4 = jax.random.split(key, 4)
    B, S, D = 4, 8192, 2048
    POOL, VOCAB_SLICE = 48, 500
    x_embed = jax.random.normal(k1, (B, S, D), dtype=jnp.float32)
    # learned parameters
    wte = jax.random.normal(k2, (VOCAB_SLICE, D), dtype=jnp.float32) * 0.02
    W = jax.random.normal(k3, (POOL, VOCAB_SLICE), dtype=jnp.float32) * (1.0 / np.sqrt(VOCAB_SLICE))
    b = jax.random.normal(k4, (POOL,), dtype=jnp.float32) * 0.01
    return {"x_embed": x_embed, "wte": wte, "W": W, "b": b}


def reference(x_embed, wte, W, b):
    top_k = 4
    # prompt_key = Linear(500 -> pool)(wte.T).T : [pool, D]
    prompt_key = (jnp.matmul(wte.T, W.T) + b).T  # [48, D]
    prompt_norm = l2_normalize(prompt_key, axis=1)  # [48, D]
    x_embed_norm = jnp.mean(x_embed, axis=1)  # [B, D]
    similarity = jnp.matmul(x_embed_norm, prompt_norm.T)  # [B, 48]
    _, idx = jax.lax.top_k(similarity, top_k)  # [B, top_k]
    batched_prompt_raw = prompt_key[idx]  # [B, top_k, D]
    reduce_sim = jnp.sum(similarity) / x_embed.shape[0]
    return (batched_prompt_raw, reduce_sim)

if __name__ == "__main__":
    import jax
    _d = setup_inputs()
    print(jax.jit(kernel)(*tuple(_d.values())))

</pallas_src>

<mosaic_0001>
#map = affine_map<(d0, d1) -> (0, 0, 0)>
module attributes {stable_mosaic.version = 14 : i64} {
  func.func @_sc_partial(%arg0: i32, %arg1: i32, %arg2: memref<4x8192x2048xf32, #tpu.memory_space<hbm>>, %arg3: memref<4x8x2048xf32, #tpu.memory_space<hbm>>, %arg4: memref<16x2048xf32, #tpu.memory_space<vmem>>, %arg5: memref<16x2048xf32, #tpu.memory_space<vmem>>, %arg6: memref<2048xf32, #tpu.memory_space<vmem>>, %arg7: memref<!tpu.dma_semaphore, #tpu.memory_space<semaphore_mem>>, %arg8: memref<!tpu.dma_semaphore, #tpu.memory_space<semaphore_mem>>) attributes {dimension_semantics = [#tpu.dimension_semantics<core_parallel>, #tpu.dimension_semantics<subcore_parallel>], iteration_bounds = array<i64: 2, 16>, scalar_prefetch = 0 : i64, scratch_operands = 5 : i64, tpu.core_type = #tpu.core_type<sc_vector_subcore>, window_params = [{transform_indices = #map}, {transform_indices = #map}]} {
    %mul3A = arith.constant 2 : i32
    %mul3A_0 = arith.muli %arg1, %mul3A : i32
    %add3A = arith.addi %mul3A_0, %arg0 : i32
    %jit3A = arith.constant 8 : i32
    %div3A = arith.divsi %add3A, %jit3A : i32
    %sign3A = arith.constant 0 : i32
    %sign3A_1 = arith.cmpi sgt, %add3A, %sign3A : i32
    %sign3A_2 = arith.extui %sign3A_1 : i1 to i32
    %sign3A_3 = arith.constant 0 : i32
    %sign3A_4 = arith.cmpi slt, %add3A, %sign3A_3 : i32
    %sign3A_5 = arith.extui %sign3A_4 : i1 to i32
    %sign3A_6 = arith.subi %sign3A_2, %sign3A_5 : i32
    %sign3A_7 = arith.constant 0 : i32
    %sign3A_8 = arith.cmpi sgt, %jit3A, %sign3A_7 : i32
    %sign3A_9 = arith.extui %sign3A_8 : i1 to i32
    %sign3A_10 = arith.constant 0 : i32
    %sign3A_11 = arith.cmpi slt, %jit3A, %sign3A_10 : i32
    %sign3A_12 = arith.extui %sign3A_11 : i1 to i32
    %sign3A_13 = arith.subi %sign3A_9, %sign3A_12 : i32
    %ne3A = arith.cmpi ne, %sign3A_6, %sign3A_13 : i32
    %rem3A = arith.remsi %add3A, %jit3A : i32
    %ne3A_14 = arith.constant 0 : i32
    %ne3A_15 = arith.cmpi ne, %rem3A, %ne3A_14 : i32
    %and3A = arith.andi %ne3A, %ne3A_15 : i1
    %sub3A = arith.constant 1 : i32
    %sub3A_16 = arith.subi %div3A, %sub3A : i32
    %select_n3A = arith.select %and3A, %sub3A_16, %div3A : i32
    %jit3A_17 = arith.constant 8 : i32
    %eq3A = arith.constant 0 : i32
    %eq3A_18 = arith.cmpi eq, %jit3A_17, %eq3A : i32
    %jit3A_19 = arith.constant 1 : i32
    %select_n3A_20 = arith.select %eq3A_18, %jit3A_19, %jit3A_17 : i32
    %rem3A_21 = arith.remsi %add3A, %select_n3A_20 : i32
    %ne3A_22 = arith.constant 0 : i32
    %ne3A_23 = arith.cmpi ne, %rem3A_21, %ne3A_22 : i32
    %lt3A = arith.constant 0 : i32
    %lt3A_24 = arith.cmpi slt, %rem3A_21, %lt3A : i32
    %lt3A_25 = arith.constant 0 : i32
    %lt3A_26 = arith.cmpi slt, %select_n3A_20, %lt3A_25 : i32
    %ne3A_27 = arith.xori %lt3A_24, %lt3A_26 : i1
    %and3A_28 = arith.andi %ne3A_27, %ne3A_23 : i1
    %add3A_29 = arith.addi %rem3A_21, %select_n3A_20 : i32
    %select_n3A_30 = arith.select %and3A_28, %add3A_29, %rem3A_21 : i32
    %mul3A_31 = arith.constant 16 : i32
    %mul3A_32 = arith.muli %select_n3A_30, %mul3A_31 : i32
    %add3A_33 = arith.constant 8064 : i32
    %add3A_34 = arith.addi %add3A_33, %mul3A_32 : i32
    %add3A_35 = arith.constant 0 : i32
    %add3A_36 = arith.addi %add3A_34, %add3A_35 : i32
    %dma_start3A = arith.constant 0 : i32
    %dma_start3A_37 = tpu.memref_slice %arg2[%select_n3A, %add3A_36, %dma_start3A] : memref<4x8192x2048xf32, #tpu.memory_space<hbm>> -> memref<1x16x2048xf32, #tpu.memory_space<hbm>>
    %dma_start3A_38 = tpu.memref_squeeze %dma_start3A_37 : memref<1x16x2048xf32, #tpu.memory_space<hbm>> -> memref<16x2048xf32, #tpu.memory_space<hbm>>
    %dma_start3A_39 = arith.constant 0 : i32
    %dma_start3A_40 = tpu.memref_slice %arg2[%select_n3A, %add3A_36, %dma_start3A_39] : memref<4x8192x2048xf32, #tpu.memory_space<hbm>> -> memref<1x16x2048xf32, #tpu.memory_space<hbm>>
    %dma_start3A_41 = tpu.memref_squeeze %dma_start3A_40 : memref<1x16x2048xf32, #tpu.memory_space<hbm>> -> memref<16x2048xf32, #tpu.memory_space<hbm>>
    tpu.enqueue_dma source(%dma_start3A_41 : memref<16x2048xf32, #tpu.memory_space<hbm>>) target(%arg4 : memref<16x2048xf32, #tpu.memory_space<vmem>>) target_semaphore(%arg7 : memref<!tpu.dma_semaphore, #tpu.memory_space<semaphore_mem>>)
    %dma_wait3A = arith.constant 0 : i32
    %dma_wait3A_42 = tpu.memref_slice %arg2[%select_n3A, %add3A_36, %dma_wait3A] : memref<4x8192x2048xf32, #tpu.memory_space<hbm>> -> memref<1x16x2048xf32, #tpu.memory_space<hbm>>
    %dma_wait3A_43 = tpu.memref_squeeze %dma_wait3A_42 : memref<1x16x2048xf32, #tpu.memory_space<hbm>> -> memref<16x2048xf32, #tpu.memory_space<hbm>>
    %dma_wait3A_44 = arith.constant 0 : i32
    %dma_wait3A_45 = tpu.memref_slice %arg2[%select_n3A, %add3A_36, %dma_wait3A_44] : memref<4x8192x2048xf32, #tpu.memory_space<hbm>> -> memref<1x16x2048xf32, #tpu.memory_space<hbm>>
    %dma_wait3A_46 = tpu.memref_squeeze %dma_wait3A_45 : memref<1x16x2048xf32, #tpu.memory_space<hbm>> -> memref<16x2048xf32, #tpu.memory_space<hbm>>
    tpu.wait_dma2 semaphore(%arg7 : memref<!tpu.dma_semaphore, #tpu.memory_space<semaphore_mem>>) src(%dma_wait3A_46 : memref<16x2048xf32, #tpu.memory_space<hbm>>) dst(%arg4 : memref<16x2048xf32, #tpu.memory_space<vmem>>)
    %scan3A = arith.constant 0 : i32
    %scan3A_47 = arith.constant 0 : i32
    %scan3A_48 = arith.constant 32 : i32
    %scan3A_49 = arith.addi %scan3A_47, %scan3A_48 : i32
    %scan3A_50 = arith.constant 1 : i32
    %scan3A_51 = scf.for %scan3A_53 = %scan3A_47 to %scan3A_49 step %scan3A_50 iter_args(%scan3A_54 = %scan3A) -> (i32)  : i32 {
      %mul3A_55 = arith.constant 4 : i32
      %mul3A_56 = arith.muli %scan3A_53, %mul3A_55 : i32
      %add3A_57 = arith.constant 0 : i32
      %add3A_58 = arith.addi %mul3A_56, %add3A_57 : i32
      %mul3A_59 = arith.constant 16 : i32
      %mul3A_60 = arith.muli %add3A_58, %mul3A_59 : i32
      %get3A = arith.constant 0 : i32
      %get3A_61 = arith.index_cast %get3A : i32 to index
      %get3A_62 = arith.index_cast %mul3A_60 : i32 to index
      %get3A_63 = tpu.vector_load %arg4[%get3A_61, %get3A_62] {strides = array<i32>} : memref<16x2048xf32, #tpu.memory_space<vmem>>, vector<1x16xf32>,
      %get3A_64 = vector.shape_cast %get3A_63 : vector<1x16xf32> to vector<16xf32>
      %get3A_65 = arith.constant 1 : i32
      %get3A_66 = arith.index_cast %get3A_65 : i32 to index
      %get3A_67 = arith.index_cast %mul3A_60 : i32 to index
      %get3A_68 = tpu.vector_load %arg4[%get3A_66, %get3A_67] {strides = array<i32>} : memref<16x2048xf32, #tpu.memory_space<vmem>>, vector<1x16xf32>,
      %get3A_69 = vector.shape_cast %get3A_68 : vector<1x16xf32> to vector<16xf32>
      %get3A_70 = arith.constant 2 : i32
      %get3A_71 = arith.index_cast %get3A_70 : i32 to index
      %get3A_72 = arith.index_cast %mul3A_60 : i32 to index
      %get3A_73 = tpu.vector_load %arg4[%get3A_71, %get3A_72] {strides = array<i32>} : memref<16x2048xf32, #tpu.memory_space<vmem>>, vector<1x16xf32>,
      %get3A_74 = vector.shape_cast %get3A_73 : vector<1x16xf32> to vector<16xf32>
      %get3A_75 = arith.constant 3 : i32
      %get3A_76 = arith.index_cast %get3A_75 : i32 to index
      %get3A_77 = arith.index_cast %mul3A_60 : i32 to index
      %get3A_78 = tpu.vector_load %arg4[%get3A_76, %get3A_77] {strides = array<i32>} : memref<16x2048xf32, #tpu.memory_space<vmem>>, vector<1x16xf32>,
      %get3A_79 = vector.shape_cast %get3A_78 : vector<1x16xf32> to vector<16xf32>
      %get3A_80 = arith.constant 4 : i32
      %get3A_81 = arith.index_cast %get3A_80 : i32 to index
      %get3A_82 = arith.index_cast %mul3A_60 : i32 to index
      %get3A_83 = tpu.vector_load %arg4[%get3A_81, %get3A_82] {strides = array<i32>} : memref<16x2048xf32, #tpu.memory_space<vmem>>, vector<1x16xf32>,
      %get3A_84 = vector.shape_cast %get3A_83 : vector<1x16xf32> to vector<16xf32>
      %add3A_85 = arith.addf %get3A_64, %get3A_84 : vector<16xf32>
      %get3A_86 = arith.constant 5 : i32
      %get3A_87 = arith.index_cast %get3A_86 : i32 to index
      %get3A_88 = arith.index_cast %mul3A_60 : i32 to index
      %get3A_89 = tpu.vector_load %arg4[%get3A_87, %get3A_88] {strides = array<i32>} : memref<16x2048xf32, #tpu.memory_space<vmem>>, vector<1x16xf32>,
      %get3A_90 = vector.shape_cast %get3A_89 : vector<1x16xf32> to vector<16xf32>
      %add3A_91 = arith.addf %get3A_69, %get3A_90 : vector<16xf32>
      %get3A_92 = arith.constant 6 : i32
      %get3A_93 = arith.index_cast %get3A_92 : i32 to index
      %get3A_94 = arith.index_cast %mul3A_60 : i32 to index
      %get3A_95 = tpu.vector_load %arg4[%get3A_93, %get3A_94] {strides = array<i32>} : memref<16x2048xf32, #tpu.memory_space<vmem>>, vector<1x16xf32>,
      %get3A_96 = vector.shape_cast %get3A_95 : vector<1x16xf32> to vector<16xf32>
      %add3A_97 = arith.addf %get3A_74, %get3A_96 : vector<16xf32>
      %get3A_98 = arith.constant 7 : i32
      %get3A_99 = arith.index_cast %get3A_98 : i32 to index
      %get3A_100 = arith.index_cast %mul3A_60 : i32 to index
      %get3A_101 = tpu.vector_load %arg4[%get3A_99, %get3A_100] {strides = array<i32>} : memref<16x2048xf32, #tpu.memory_space<vmem>>, vector<1x16xf32>,
      %get3A_102 = vector.shape_cast %get3A_101 : vector<1x16xf32> to vector<16xf32>
      %add3A_103 = arith.addf %get3A_79, %get3A_102 : vector<16xf32>
      %get3A_104 = arith.constant 8 : i32
      %get3A_105 = arith.index_cast %get3A_104 : i32 to index
      %get3A_106 = arith.index_cast %mul3A_60 : i32 to index
      %get3A_107 = tpu.vector_load %arg4[%get3A_105, %get3A_106] {strides = array<i32>} : memref<16x2048xf32, #tpu.memory_space<vmem>>, vector<1x16xf32>,
      %get3A_108 = vector.shape_cast %get3A_107 : vector<1x16xf32> to vector<16xf32>
      %add3A_109 = arith.addf %add3A_85, %get3A_108 : vector<16xf32>
      %get3A_110 = arith.constant 9 : i32
      %get3A_111 = arith.index_cast %get3A_110 : i32 to index
      %get3A_112 = arith.index_cast %mul3A_60 : i32 to index
      %get3A_113 = tpu.vector_load %arg4[%get3A_111, %get3A_112] {strides = array<i32>} : memref<16x2048xf32, #tpu.memory_space<vmem>>, vector<1x16xf32>,
      %get3A_114 = vector.shape_cast %get3A_113 : vector<1x16xf32> to vector<16xf32>
      %add3A_115 = arith.addf %add3A_91, %get3A_114 : vector<16xf32>
      %get3A_116 = arith.constant 10 : i32
      %get3A_117 = arith.index_cast %get3A_116 : i32 to index
      %get3A_118 = arith.index_cast %mul3A_60 : i32 to index
      %get3A_119 = tpu.vector_load %arg4[%get3A_117, %get3A_118] {strides = array<i32>} : memref<16x2048xf32, #tpu.memory_space<vmem>>, vector<1x16xf32>,
      %get3A_120 = vector.shape_cast %get3A_119 : vector<1x16xf32> to vector<16xf32>
      %add3A_121 = arith.addf %add3A_97, %get3A_120 : vector<16xf32>
      %get3A_122 = arith.constant 11 : i32
      %get3A_123 = arith.index_cast %get3A_122 : i32 to index
      %get3A_124 = arith.index_cast %mul3A_60 : i32 to index
      %get3A_125 = tpu.vector_load %arg4[%get3A_123, %get3A_124] {strides = array<i32>} : memref<16x2048xf32, #tpu.memory_space<vmem>>, vector<1x16xf32>,
      %get3A_126 = vector.shape_cast %get3A_125 : vector<1x16xf32> to vector<16xf32>
      %add3A_127 = arith.addf %add3A_103, %get3A_126 : vector<16xf32>
      %get3A_128 = arith.constant 12 : i32
      %get3A_129 = arith.index_cast %get3A_128 : i32 to index
      %get3A_130 = arith.index_cast %mul3A_60 : i32 to index
      %get3A_131 = tpu.vector_load %arg4[%get3A_129, %get3A_130] {strides = array<i32>} : memref<16x2048xf32, #tpu.memory_space<vmem>>, vector<1x16xf32>,
      %get3A_132 = vector.shape_cast %get3A_131 : vector<1x16xf32> to vector<16xf32>
      %add3A_133 = arith.addf %add3A_109, %get3A_132 : vector<16xf32>
      %get3A_134 = arith.constant 13 : i32
      %get3A_135 = arith.index_cast %get3A_134 : i32 to index
      %get3A_136 = arith.index_cast %mul3A_60 : i32 to index
      %get3A_137 = tpu.vector_load %arg4[%get3A_135, %get3A_136] {strides = array<i32>} : memref<16x2048xf32, #tpu.memory_space<vmem>>, vector<1x16xf32>,
      %get3A_138 = vector.shape_cast %get3A_137 : vector<1x16xf32> to vector<16xf32>
      %add3A_139 = arith.addf %add3A_115, %get3A_138 : vector<16xf32>
      %get3A_140 = arith.constant 14 : i32
      %get3A_141 = arith.index_cast %get3A_140 : i32 to index
      %get3A_142 = arith.index_cast %mul3A_60 : i32 to index
      %get3A_143 = tpu.vector_load %arg4[%get3A_141, %get3A_142] {strides = array<i32>} : memref<16x2048xf32, #tpu.memory_space<vmem>>, vector<1x16xf32>,
      %get3A_144 = vector.shape_cast %get3A_143 : vector<1x16xf32> to vector<16xf32>
      %add3A_145 = arith.addf %add3A_121, %get3A_144 : vector<16xf32>
      %get3A_146 = arith.constant 15 : i32
      %get3A_147 = arith.index_cast %get3A_146 : i32 to index
      %get3A_148 = arith.index_cast %mul3A_60 : i32 to index
      %get3A_149 = tpu.vector_load %arg4[%get3A_147, %get3A_148] {strides = array<i32>} : memref<16x2048xf32, #tpu.memory_space<vmem>>, vector<1x16xf32>,
      %get3A_150 = vector.shape_cast %get3A_149 : vector<1x16xf32> to vector<16xf32>
      %add3A_151 = arith.addf %add3A_127, %get3A_150 : vector<16xf32>
      %add3A_152 = arith.addf %add3A_133, %add3A_139 : vector<16xf32>
      %add3A_153 = arith.addf %add3A_145, %add3A_151 : vector<16xf32>
      %add3A_154 = arith.addf %add3A_152, %add3A_153 : vector<16xf32>
      %swap3A = arith.index_cast %mul3A_60 : i32 to index
      %swap3A_155 = tpu.vector_load %arg6[%swap3A] {strides = array<i32>} : memref<2048xf32, #tpu.memory_space<vmem>>, vector<16xf32>,
      %swap3A_156 = vector.shape_cast %swap3A_155 : vector<16xf32> to vector<16xf32>
      %swap3A_157 = vector.shape_cast %add3A_154 : vector<16xf32> to vector<16xf32>
      tpu.vector_store %arg6[%swap3A], %swap3A_157 {strides = array<i32>} : memref<2048xf32, #tpu.memory_space<vmem>>, vector<16xf32>,
      %mul3A_158 = arith.constant 4 : i32
      %mul3A_159 = arith.muli %scan3A_53, %mul3A_158 : i32
      %add3A_160 = arith.constant 1 : i32
      %add3A_161 = arith.addi %mul3A_159, %add3A_160 : i32
      %mul3A_162 = arith.constant 16 : i32
      %mul3A_163 = arith.muli %add3A_161, %mul3A_162 : i32
      %get3A_164 = arith.constant 0 : i32
      %get3A_165 = arith.index_cast %get3A_164 : i32 to index
      %get3A_166 = arith.index_cast %mul3A_163 : i32 to index
      %get3A_167 = tpu.vector_load %arg4[%get3A_165, %get3A_166] {strides = array<i32>} : memref<16x2048xf32, #tpu.memory_space<vmem>>, vector<1x16xf32>,
      %get3A_168 = vector.shape_cast %get3A_167 : vector<1x16xf32> to vector<16xf32>
      %get3A_169 = arith.constant 1 : i32
      %get3A_170 = arith.index_cast %get3A_169 : i32 to index
      %get3A_171 = arith.index_cast %mul3A_163 : i32 to index
      %get3A_172 = tpu.vector_load %arg4[%get3A_170, %get3A_171] {strides = array<i32>} : memref<16x2048xf32, #tpu.memory_space<vmem>>, vector<1x16xf32>,
      %get3A_173 = vector.shape_cast %get3A_172 : vector<1x16xf32> to vector<16xf32>
      %get3A_174 = arith.constant 2 : i32
      %get3A_175 = arith.index_cast %get3A_174 : i32 to index
      %get3A_176 = arith.index_cast %mul3A_163 : i32 to index
      %get3A_177 = tpu.vector_load %arg4[%get3A_175, %get3A_176] {strides = array<i32>} : memref<16x2048xf32, #tpu.memory_space<vmem>>, vector<1x16xf32>,
      %get3A_178 = vector.shape_cast %get3A_177 : vector<1x16xf32> to vector<16xf32>
      %get3A_179 = arith.constant 3 : i32
      %get3A_180 = arith.index_cast %get3A_179 : i32 to index
      %get3A_181 = arith.index_cast %mul3A_163 : i32 to index
      %get3A_182 = tpu.vector_load %arg4[%get3A_180, %get3A_181] {strides = array<i32>} : memref<16x2048xf32, #tpu.memory_space<vmem>>, vector<1x16xf32>,
      %get3A_183 = vector.shape_cast %get3A_182 : vector<1x16xf32> to vector<16xf32>
      %get3A_184 = arith.constant 4 : i32
      %get3A_185 = arith.index_cast %get3A_184 : i32 to index
      %get3A_186 = arith.index_cast %mul3A_163 : i32 to index
      %get3A_187 = tpu.vector_load %arg4[%get3A_185, %get3A_186] {strides = array<i32>} : memref<16x2048xf32, #tpu.memory_space<vmem>>, vector<1x16xf32>,
      %get3A_188 = vector.shape_cast %get3A_187 : vector<1x16xf32> to vector<16xf32>
      %add3A_189 = arith.addf %get3A_168, %get3A_188 : vector<16xf32>
      %get3A_190 = arith.constant 5 : i32
      %get3A_191 = arith.index_cast %get3A_190 : i32 to index
      %get3A_192 = arith.index_cast %mul3A_163 : i32 to index
      %get3A_193 = tpu.vector_load %arg4[%get3A_191, %get3A_192] {strides = array<i32>} : memref<16x2048xf32, #tpu.memory_space<vmem>>, vector<1x16xf32>,
      %get3A_194 = vector.shape_cast %get3A_193 : vector<1x16xf32> to vector<16xf32>
      %add3A_195 = arith.addf %get3A_173, %get3A_194 : vector<16xf32>
      %get3A_196 = arith.constant 6 : i32
      %get3A_197 = arith.index_cast %get3A_196 : i32 to index
      %get3A_198 = arith.index_cast %mul3A_163 : i32 to index
      %get3A_199 = tpu.vector_load %arg4[%get3A_197, %get3A_198] {strides = array<i32>} : memref<16x2048xf32, #tpu.memory_space<vmem>>, vector<1x16xf32>,
      %get3A_200 = vector.shape_cast %get3A_199 : vector<1x16xf32> to vector<16xf32>
      %add3A_201 = arith.addf %get3A_178, %get3A_200 : vector<16xf32>
      %get3A_202 = arith.constant 7 : i32
      %get3A_203 = arith.index_cast %get3A_202 : i32 to index
      %get3A_204 = arith.index_cast %mul3A_163 : i32 to index
      %get3A_205 = tpu.vector_load %arg4[%get3A_203, %get3A_204] {strides = array<i32>} : memref<16x2048xf32, #tpu.memory_space<vmem>>, vector<1x16xf32>,
      %get3A_206 = vector.shape_cast %get3A_205 : vector<1x16xf32> to vector<16xf32>
      %add3A_207 = arith.addf %get3A_183, %get3A_206 : vector<16xf32>
      %get3A_208 = arith.constant 8 : i32
      %get3A_209 = arith.index_cast %get3A_208 : i32 to index
      %get3A_210 = arith.index_cast %mul3A_163 : i32 to index
      %get3A_211 = tpu.vector_load %arg4[%get3A_209, %get3A_210] {strides = array<i32>} : memref<16x2048xf32, #tpu.memory_space<vmem>>, vector<1x16xf32>,
      %get3A_212 = vector.shape_cast %get3A_211 : vector<1x16xf32> to vector<16xf32>
      %add3A_213 = arith.addf %add3A_189, %get3A_212 : vector<16xf32>
      %get3A_214 = arith.constant 9 : i32
      %get3A_215 = arith.index_cast %get3A_214 : i32 to index
      %get3A_216 = arith.index_cast %mul3A_163 : i32 to index
      %get3A_217 = tpu.vector_load %arg4[%get3A_215, %get3A_216] {strides = array<i32>} : memref<16x2048xf32, #tpu.memory_space<vmem>>, vector<1x16xf32>,
      %get3A_218 = vector.shape_cast %get3A_217 : vector<1x16xf32> to vector<16xf32>
      %add3A_219 = arith.addf %add3A_195, %get3A_218 : vector<16xf32>
      %get3A_220 = arith.constant 10 : i32
      %get3A_221 = arith.index_cast %get3A_220 : i32 to index
      %get3A_222 = arith.index_cast %mul3A_163 : i32 to index
      %get3A_223 = tpu.vector_load %arg4[%get3A_221, %get3A_222] {strides = array<i32>} : memref<16x2048xf32, #tpu.memory_space<vmem>>, vector<1x16xf32>,
      %get3A_224 = vector.shape_cast %get3A_223 : vector<1x16xf32> to vector<16xf32>
      %add3A_225 = arith.addf %add3A_201, %get3A_224 : vector<16xf32>
      %get3A_226 = arith.constant 11 : i32
      %get3A_227 = arith.index_cast %get3A_226 : i32 to index
      %get3A_228 = arith.index_cast %mul3A_163 : i32 to index
      %get3A_229 = tpu.vector_load %arg4[%get3A_227, %get3A_228] {strides = array<i32>} : memref<16x2048xf32, #tpu.memory_space<vmem>>, vector<1x16xf32>,
      %get3A_230 = vector.shape_cast %get3A_229 : vector<1x16xf32> to vector<16xf32>
      %add3A_231 = arith.addf %add3A_207, %get3A_230 : vector<16xf32>
      %get3A_232 = arith.constant 12 : i32
      %get3A_233 = arith.index_cast %get3A_232 : i32 to index
      %get3A_234 = arith.index_cast %mul3A_163 : i32 to index
      %get3A_235 = tpu.vector_load %arg4[%get3A_233, %get3A_234] {strides = array<i32>} : memref<16x2048xf32, #tpu.memory_space<vmem>>, vector<1x16xf32>,
      %get3A_236 = vector.shape_cast %get3A_235 : vector<1x16xf32> to vector<16xf32>
      %add3A_237 = arith.addf %add3A_213, %get3A_236 : vector<16xf32>
      %get3A_238 = arith.constant 13 : i32
      %get3A_239 = arith.index_cast %get3A_238 : i32 to index
      %get3A_240 = arith.index_cast %mul3A_163 : i32 to index
      %get3A_241 = tpu.vector_load %arg4[%get3A_239, %get3A_240] {strides = array<i32>} : memref<16x2048xf32, #tpu.memory_space<vmem>>, vector<1x16xf32>,
      %get3A_242 = vector.shape_cast %get3A_241 : vector<1x16xf32> to vector<16xf32>
      %add3A_243 = arith.addf %add3A_219, %get3A_242 : vector<16xf32>
      %get3A_244 = arith.constant 14 : i32
      %get3A_245 = arith.index_cast %get3A_244 : i32 to index
      %get3A_246 = arith.index_cast %mul3A_163 : i32 to index
      %get3A_247 = tpu.vector_load %arg4[%get3A_245, %get3A_246] {strides = array<i32>} : memref<16x2048xf32, #tpu.memory_space<vmem>>, vector<1x16xf32>,
      %get3A_248 = vector.shape_cast %get3A_247 : vector<1x16xf32> to vector<16xf32>
      %add3A_249 = arith.addf %add3A_225, %get3A_248 : vector<16xf32>
      %get3A_250 = arith.constant 15 : i32
      %get3A_251 = arith.index_cast %get3A_250 : i32 to index
      %get3A_252 = arith.index_cast %mul3A_163 : i32 to index
      %get3A_253 = tpu.vector_load %arg4[%get3A_251, %get3A_252] {strides = array<i32>} : memref<16x2048xf32, #tpu.memory_space<vmem>>, vector<1x16xf32>,
      %get3A_254 = vector.shape_cast %get3A_253 : vector<1x16xf32> to vector<16xf32>
      %add3A_255 = arith.addf %add3A_231, %get3A_254 : vector<16xf32>
      %add3A_256 = arith.addf %add3A_237, %add3A_243 : vector<16xf32>
      %add3A_257 = arith.addf %add3A_249, %add3A_255 : vector<16xf32>
      %add3A_258 = arith.addf %add3A_256, %add3A_257 : vector<16xf32>
      %swap3A_259 = arith.index_cast %mul3A_163 : i32 to index
      %swap3A_260 = tpu.vector_load %arg6[%swap3A_259] {strides = array<i32>} : memref<2048xf32, #tpu.memory_space<vmem>>, vector<16xf32>,
      %swap3A_261 = vector.shape_cast %swap3A_260 : vector<16xf32> to vector<16xf32>
      %swap3A_262 = vector.shape_cast %add3A_258 : vector<16xf32> to vector<16xf32>
      tpu.vector_store %arg6[%swap3A_259], %swap3A_262 {strides = array<i32>} : memref<2048xf32, #tpu.memory_space<vmem>>, vector<16xf32>,
      %mul3A_263 = arith.constant 4 : i32
      %mul3A_264 = arith.muli %scan3A_53, %mul3A_263 : i32
      %add3A_265 = arith.constant 2 : i32
      %add3A_266 = arith.addi %mul3A_264, %add3A_265 : i32
      %mul3A_267 = arith.constant 16 : i32
      %mul3A_268 = arith.muli %add3A_266, %mul3A_267 : i32
      %get3A_269 = arith.constant 0 : i32
      %get3A_270 = arith.index_cast %get3A_269 : i32 to index
      %get3A_271 = arith.index_cast %mul3A_268 : i32 to index
      %get3A_272 = tpu.vector_load %arg4[%get3A_270, %get3A_271] {strides = array<i32>} : memref<16x2048xf32, #tpu.memory_space<vmem>>, vector<1x16xf32>,
      %get3A_273 = vector.shape_cast %get3A_272 : vector<1x16xf32> to vector<16xf32>
      %get3A_274 = arith.constant 1 : i32
      %get3A_275 = arith.index_cast %get3A_274 : i32 to index
      %get3A_276 = arith.index_cast %mul3A_268 : i32 to index
      %get3A_277 = tpu.vector_load %arg4[%get3A_275, %get3A_276] {strides = array<i32>} : memref<16x2048xf32, #tpu.memory_space<vmem>>, vector<1x16xf32>,
      %get3A_278 = vector.shape_cast %get3A_277 : vector<1x16xf32> to vector<16xf32>
      %get3A_279 = arith.constant 2 : i32
      %get3A_280 = arith.index_cast %get3A_279 : i32 to index
      %get3A_281 = arith.index_cast %mul3A_268 : i32 to index
      %get3A_282 = tpu.vector_load %arg4[%get3A_280, %get3A_281] {strides = array<i32>} : memref<16x2048xf32, #tpu.memory_space<vmem>>, vector<1x16xf32>,
      %get3A_283 = vector.shape_cast %get3A_282 : vector<1x16xf32> to vector<16xf32>
      %get3A_284 = arith.constant 3 : i32
      %get3A_285 = arith.index_cast %get3A_284 : i32 to index
      %get3A_286 = arith.index_cast %mul3A_268 : i32 to index
      %get3A_287 = tpu.vector_load %arg4[%get3A_285, %get3A_286] {strides = array<i32>} : memref<16x2048xf32, #tpu.memory_space<vmem>>, vector<1x16xf32>,
      %get3A_288 = vector.shape_cast %get3A_287 : vector<1x16xf32> to vector<16xf32>
      %get3A_289 = arith.constant 4 : i32
      %get3A_290 = arith.index_cast %get3A_289 : i32 to index
      %get3A_291 = arith.index_cast %mul3A_268 : i32 to index
      %get3A_292 = tpu.vector_load %arg4[%get3A_290, %get3A_291] {strides = array<i32>} : memref<16x2048xf32, #tpu.memory_space<vmem>>, vector<1x16xf32>,
      %get3A_293 = vector.shape_cast %get3A_292 : vector<1x16xf32> to vector<16xf32>
      %add3A_294 = arith.addf %get3A_273, %get3A_293 : vector<16xf32>
      %get3A_295 = arith.constant 5 : i32
      %get3A_296 = arith.index_cast %get3A_295 : i32 to index
      %get3A_297 = arith.index_cast %mul3A_268 : i32 to index
      %get3A_298 = tpu.vector_load %arg4[%get3A_296, %get3A_297] {strides = array<i32>} : memref<16x2048xf32, #tpu.memory_space<vmem>>, vector<1x16xf32>,
      %get3A_299 = vector.shape_cast %get3A_298 : vector<1x16xf32> to vector<16xf32>
      %add3A_300 = arith.addf %get3A_278, %get3A_299 : vector<16xf32>
      %get3A_301 = arith.constant 6 : i32
      %get3A_302 = arith.index_cast %get3A_301 : i32 to index
      %get3A_303 = arith.index_cast %mul3A_268 : i32 to index
      %get3A_304 = tpu.vector_load %arg4[%get3A_302, %get3A_303] {strides = array<i32>} : memref<16x2048xf32, #tpu.memory_space<vmem>>, vector<1x16xf32>,
      %get3A_305 = vector.shape_cast %get3A_304 : vector<1x16xf32> to vector<16xf32>
      %add3A_306 = arith.addf %get3A_283, %get3A_305 : vector<16xf32>
      %get3A_307 = arith.constant 7 : i32
      %get3A_308 = arith.index_cast %get3A_307 : i32 to index
      %get3A_309 = arith.index_cast %mul3A_268 : i32 to index
      %get3A_310 = tpu.vector_load %arg4[%get3A_308, %get3A_309] {strides = array<i32>} : memref<16x2048xf32, #tpu.memory_space<vmem>>, vector<1x16xf32>,
      %get3A_311 = vector.shape_cast %get3A_310 : vector<1x16xf32> to vector<16xf32>
      %add3A_312 = arith.addf %get3A_288, %get3A_311 : vector<16xf32>
      %get3A_313 = arith.constant 8 : i32
      %get3A_314 = arith.index_cast %get3A_313 : i32 to index
      %get3A_315 = arith.index_cast %mul3A_268 : i32 to index
      %get3A_316 = tpu.vector_load %arg4[%get3A_314, %get3A_315] {strides = array<i32>} : memref<16x2048xf32, #tpu.memory_space<vmem>>, vector<1x16xf32>,
      %get3A_317 = vector.shape_cast %get3A_316 : vector<1x16xf32> to vector<16xf32>
      %add3A_318 = arith.addf %add3A_294, %get3A_317 : vector<16xf32>
      %get3A_319 = arith.constant 9 : i32
      %get3A_320 = arith.index_cast %get3A_319 : i32 to index
      %get3A_321 = arith.index_cast %mul3A_268 : i32 to index
      %get3A_322 = tpu.vector_load %arg4[%get3A_320, %get3A_321] {strides = array<i32>} : memref<16x2048xf32, #tpu.memory_space<vmem>>, vector<1x16xf32>,
      %get3A_323 = vector.shape_cast %get3A_322 : vector<1x16xf32> to vector<16xf32>
      %add3A_324 = arith.addf %add3A_300, %get3A_323 : vector<16xf32>
      %get3A_325 = arith.constant 10 : i32
      %get3A_326 = arith.index_cast %get3A_325 : i32 to index
      %get3A_327 = arith.index_cast %mul3A_268 : i32 to index
      %get3A_328 = tpu.vector_load %arg4[%get3A_326, %get3A_327] {strides = array<i32>} : memref<16x2048xf32, #tpu.memory_space<vmem>>, vector<1x16xf32>,
      %get3A_329 = vector.shape_cast %get3A_328 : vector<1x16xf32> to vector<16xf32>
      %add3A_330 = arith.addf %add3A_306, %get3A_329 : vector<16xf32>
      %get3A_331 = arith.constant 11 : i32
      %get3A_332 = arith.index_cast %get3A_331 : i32 to index
      %get3A_333 = arith.index_cast %mul3A_268 : i32 to index
      %get3A_334 = tpu.vector_load %arg4[%get3A_332, %get3A_333] {strides = array<i32>} : memref<16x2048xf32, #tpu.memory_space<vmem>>, vector<1x16xf32>,
      %get3A_335 = vector.shape_cast %get3A_334 : vector<1x16xf32> to vector<16xf32>
      %add3A_336 = arith.addf %add3A_312, %get3A_335 : vector<16xf32>
      %get3A_337 = arith.constant 12 : i32
      %get3A_338 = arith.index_cast %get3A_337 : i32 to index
      %get3A_339 = arith.index_cast %mul3A_268 : i32 to index
      %get3A_340 = tpu.vector_load %arg4[%get3A_338, %get3A_339] {strides = array<i32>} : memref<16x2048xf32, #tpu.memory_space<vmem>>, vector<1x16xf32>,
      %get3A_341 = vector.shape_cast %get3A_340 : vector<1x16xf32> to vector<16xf32>
      %add3A_342 = arith.addf %add3A_318, %get3A_341 : vector<16xf32>
      %get3A_343 = arith.constant 13 : i32
      %get3A_344 = arith.index_cast %get3A_343 : i32 to index
      %get3A_345 = arith.index_cast %mul3A_268 : i32 to index
      %get3A_346 = tpu.vector_load %arg4[%get3A_344, %get3A_345] {strides = array<i32>} : memref<16x2048xf32, #tpu.memory_space<vmem>>, vector<1x16xf32>,
      %get3A_347 = vector.shape_cast %get3A_346 : vector<1x16xf32> to vector<16xf32>
      %add3A_348 = arith.addf %add3A_324, %get3A_347 : vector<16xf32>
      %get3A_349 = arith.constant 14 : i32
      %get3A_350 = arith.index_cast %get3A_349 : i32 to index
      %get3A_351 = arith.index_cast %mul3A_268 : i32 to index
      %get3A_352 = tpu.vector_load %arg4[%get3A_350, %get3A_351] {strides = array<i32>} : memref<16x2048xf32, #tpu.memory_space<vmem>>, vector<1x16xf32>,
      %get3A_353 = vector.shape_cast %get3A_352 : vector<1x16xf32> to vector<16xf32>
      %add3A_354 = arith.addf %add3A_330, %get3A_353 : vector<16xf32>
      %get3A_355 = arith.constant 15 : i32
      %get3A_356 = arith.index_cast %get3A_355 : i32 to index
      %get3A_357 = arith.index_cast %mul3A_268 : i32 to index
      %get3A_358 = tpu.vector_load %arg4[%get3A_356, %get3A_357] {strides = array<i32>} : memref<16x2048xf32, #tpu.memory_space<vmem>>, vector<1x16xf32>,
      %get3A_359 = vector.shape_cast %get3A_358 : vector<1x16xf32> to vector<16xf32>
      %add3A_360 = arith.addf %add3A_336, %get3A_359 : vector<16xf32>
      %add3A_361 = arith.addf %add3A_342, %add3A_348 : vector<16xf32>
      %add3A_362 = arith.addf %add3A_354, %add3A_360 : vector<16xf32>
      %add3A_363 = arith.addf %add3A_361, %add3A_362 : vector<16xf32>
      %swap3A_364 = arith.index_cast %mul3A_268 : i32 to index
      %swap3A_365 = tpu.vector_load %arg6[%swap3A_364] {strides = array<i32>} : memref<2048xf32, #tpu.memory_space<vmem>>, vector<16xf32>,
      %swap3A_366 = vector.shape_cast %swap3A_365 : vector<16xf32> to vector<16xf32>
      %swap3A_367 = vector.shape_cast %add3A_363 : vector<16xf32> to vector<16xf32>
      tpu.vector_store %arg6[%swap3A_364], %swap3A_367 {strides = array<i32>} : memref<2048xf32, #tpu.memory_space<vmem>>, vector<16xf32>,
      %mul3A_368 = arith.constant 4 : i32
      %mul3A_369 = arith.muli %scan3A_53, %mul3A_368 : i32
      %add3A_370 = arith.constant 3 : i32
      %add3A_371 = arith.addi %mul3A_369, %add3A_370 : i32
      %mul3A_372 = arith.constant 16 : i32
      %mul3A_373 = arith.muli %add3A_371, %mul3A_372 : i32
      %get3A_374 = arith.constant 0 : i32
      %get3A_375 = arith.index_cast %get3A_374 : i32 to index
      %get3A_376 = arith.index_cast %mul3A_373 : i32 to index
      %get3A_377 = tpu.vector_load %arg4[%get3A_375, %get3A_376] {strides = array<i32>} : memref<16x2048xf32, #tpu.memory_space<vmem>>, vector<1x16xf32>,
      %get3A_378 = vector.shape_cast %get3A_377 : vector<1x16xf32> to vector<16xf32>
      %get3A_379 = arith.constant 1 : i32
      %get3A_380 = arith.index_cast %get3A_379 : i32 to index
      %get3A_381 = arith.index_cast %mul3A_373 : i32 to index
      %get3A_382 = tpu.vector_load %arg4[%get3A_380, %get3A_381] {strides = array<i32>} : memref<16x2048xf32, #tpu.memory_space<vmem>>, vector<1x16xf32>,
      %get3A_383 = vector.shape_cast %get3A_382 : vector<1x16xf32> to vector<16xf32>
      %get3A_384 = arith.constant 2 : i32
      %get3A_385 = arith.index_cast %get3A_384 : i32 to index
      %get3A_386 = arith.index_cast %mul3A_373 : i32 to index
      %get3A_387 = tpu.vector_load %arg4[%get3A_385, %get3A_386] {strides = array<i32>} : memref<16x2048xf32, #tpu.memory_space<vmem>>, vector<1x16xf32>,
      %get3A_388 = vector.shape_cast %get3A_387 : vector<1x16xf32> to vector<16xf32>
      %get3A_389 = arith.constant 3 : i32
      %get3A_390 = arith.index_cast %get3A_389 : i32 to index
      %get3A_391 = arith.index_cast %mul3A_373 : i32 to index
      %get3A_392 = tpu.vector_load %arg4[%get3A_390, %get3A_391] {strides = array<i32>} : memref<16x2048xf32, #tpu.memory_space<vmem>>, vector<1x16xf32>,
      %get3A_393 = vector.shape_cast %get3A_392 : vector<1x16xf32> to vector<16xf32>
      %get3A_394 = arith.constant 4 : i32
      %get3A_395 = arith.index_cast %get3A_394 : i32 to index
      %get3A_396 = arith.index_cast %mul3A_373 : i32 to index
      %get3A_397 = tpu.vector_load %arg4[%get3A_395, %get3A_396] {strides = array<i32>} : memref<16x2048xf32, #tpu.memory_space<vmem>>, vector<1x16xf32>,
      %get3A_398 = vector.shape_cast %get3A_397 : vector<1x16xf32> to vector<16xf32>
      %add3A_399 = arith.addf %get3A_378, %get3A_398 : vector<16xf32>
      %get3A_400 = arith.constant 5 : i32
      %get3A_401 = arith.index_cast %get3A_400 : i32 to index
      %get3A_402 = arith.index_cast %mul3A_373 : i32 to index
      %get3A_403 = tpu.vector_load %arg4[%get3A_401, %get3A_402] {strides = array<i32>} : memref<16x2048xf32, #tpu.memory_space<vmem>>, vector<1x16xf32>,
      %get3A_404 = vector.shape_cast %get3A_403 : vector<1x16xf32> to vector<16xf32>
      %add3A_405 = arith.addf %get3A_383, %get3A_404 : vector<16xf32>
      %get3A_406 = arith.constant 6 : i32
      %get3A_407 = arith.index_cast %get3A_406 : i32 to index
      %get3A_408 = arith.index_cast %mul3A_373 : i32 to index
      %get3A_409 = tpu.vector_load %arg4[%get3A_407, %get3A_408] {strides = array<i32>} : memref<16x2048xf32, #tpu.memory_space<vmem>>, vector<1x16xf32>,
      %get3A_410 = vector.shape_cast %get3A_409 : vector<1x16xf32> to vector<16xf32>
      %add3A_411 = arith.addf %get3A_388, %get3A_410 : vector<16xf32>
      %get3A_412 = arith.constant 7 : i32
      %get3A_413 = arith.index_cast %get3A_412 : i32 to index
      %get3A_414 = arith.index_cast %mul3A_373 : i32 to index
      %get3A_415 = tpu.vector_load %arg4[%get3A_413, %get3A_414] {strides = array<i32>} : memref<16x2048xf32, #tpu.memory_space<vmem>>, vector<1x16xf32>,
      %get3A_416 = vector.shape_cast %get3A_415 : vector<1x16xf32> to vector<16xf32>
      %add3A_417 = arith.addf %get3A_393, %get3A_416 : vector<16xf32>
      %get3A_418 = arith.constant 8 : i32
      %get3A_419 = arith.index_cast %get3A_418 : i32 to index
      %get3A_420 = arith.index_cast %mul3A_373 : i32 to index
      %get3A_421 = tpu.vector_load %arg4[%get3A_419, %get3A_420] {strides = array<i32>} : memref<16x2048xf32, #tpu.memory_space<vmem>>, vector<1x16xf32>,
      %get3A_422 = vector.shape_cast %get3A_421 : vector<1x16xf32> to vector<16xf32>
      %add3A_423 = arith.addf %add3A_399, %get3A_422 : vector<16xf32>
      %get3A_424 = arith.constant 9 : i32
      %get3A_425 = arith.index_cast %get3A_424 : i32 to index
      %get3A_426 = arith.index_cast %mul3A_373 : i32 to index
      %get3A_427 = tpu.vector_load %arg4[%get3A_425, %get3A_426] {strides = array<i32>} : memref<16x2048xf32, #tpu.memory_space<vmem>>, vector<1x16xf32>,
      %get3A_428 = vector.shape_cast %get3A_427 : vector<1x16xf32> to vector<16xf32>
      %add3A_429 = arith.addf %add3A_405, %get3A_428 : vector<16xf32>
      %get3A_430 = arith.constant 10 : i32
      %get3A_431 = arith.index_cast %get3A_430 : i32 to index
      %get3A_432 = arith.index_cast %mul3A_373 : i32 to index
      %get3A_433 = tpu.vector_load %arg4[%get3A_431, %get3A_432] {strides = array<i32>} : memref<16x2048xf32, #tpu.memory_space<vmem>>, vector<1x16xf32>,
      %get3A_434 = vector.shape_cast %get3A_433 : vector<1x16xf32> to vector<16xf32>
      %add3A_435 = arith.addf %add3A_411, %get3A_434 : vector<16xf32>
      %get3A_436 = arith.constant 11 : i32
      %get3A_437 = arith.index_cast %get3A_436 : i32 to index
      %get3A_438 = arith.index_cast %mul3A_373 : i32 to index
      %get3A_439 = tpu.vector_load %arg4[%get3A_437, %get3A_438] {strides = array<i32>} : memref<16x2048xf32, #tpu.memory_space<vmem>>, vector<1x16xf32>,
      %get3A_440 = vector.shape_cast %get3A_439 : vector<1x16xf32> to vector<16xf32>
      %add3A_441 = arith.addf %add3A_417, %get3A_440 : vector<16xf32>
      %get3A_442 = arith.constant 12 : i32
      %get3A_443 = arith.index_cast %get3A_442 : i32 to index
      %get3A_444 = arith.index_cast %mul3A_373 : i32 to index
      %get3A_445 = tpu.vector_load %arg4[%get3A_443, %get3A_444] {strides = array<i32>} : memref<16x2048xf32, #tpu.memory_space<vmem>>, vector<1x16xf32>,
      %get3A_446 = vector.shape_cast %get3A_445 : vector<1x16xf32> to vector<16xf32>
      %add3A_447 = arith.addf %add3A_423, %get3A_446 : vector<16xf32>
      %get3A_448 = arith.constant 13 : i32
      %get3A_449 = arith.index_cast %get3A_448 : i32 to index
      %get3A_450 = arith.index_cast %mul3A_373 : i32 to index
      %get3A_451 = tpu.vector_load %arg4[%get3A_449, %get3A_450] {strides = array<i32>} : memref<16x2048xf32, #tpu.memory_space<vmem>>, vector<1x16xf32>,
      %get3A_452 = vector.shape_cast %get3A_451 : vector<1x16xf32> to vector<16xf32>
      %add3A_453 = arith.addf %add3A_429, %get3A_452 : vector<16xf32>
      %get3A_454 = arith.constant 14 : i32
      %get3A_455 = arith.index_cast %get3A_454 : i32 to index
      %get3A_456 = arith.index_cast %mul3A_373 : i32 to index
      %get3A_457 = tpu.vector_load %arg4[%get3A_455, %get3A_456] {strides = array<i32>} : memref<16x2048xf32, #tpu.memory_space<vmem>>, vector<1x16xf32>,
      %get3A_458 = vector.shape_cast %get3A_457 : vector<1x16xf32> to vector<16xf32>
      %add3A_459 = arith.addf %add3A_435, %get3A_458 : vector<16xf32>
      %get3A_460 = arith.constant 15 : i32
      %get3A_461 = arith.index_cast %get3A_460 : i32 to index
      %get3A_462 = arith.index_cast %mul3A_373 : i32 to index
      %get3A_463 = tpu.vector_load %arg4[%get3A_461, %get3A_462] {strides = array<i32>} : memref<16x2048xf32, #tpu.memory_space<vmem>>, vector<1x16xf32>,
      %get3A_464 = vector.shape_cast %get3A_463 : vector<1x16xf32> to vector<16xf32>
      %add3A_465 = arith.addf %add3A_441, %get3A_464 : vector<16xf32>
      %add3A_466 = arith.addf %add3A_447, %add3A_453 : vector<16xf32>
      %add3A_467 = arith.addf %add3A_459, %add3A_465 : vector<16xf32>
      %add3A_468 = arith.addf %add3A_466, %add3A_467 : vector<16xf32>
      %swap3A_469 = arith.index_cast %mul3A_373 : i32 to index
      %swap3A_470 = tpu.vector_load %arg6[%swap3A_469] {strides = array<i32>} : memref<2048xf32, #tpu.memory_space<vmem>>, vector<16xf32>,
      %swap3A_471 = vector.shape_cast %swap3A_470 : vector<16xf32> to vector<16xf32>
      %swap3A_472 = vector.shape_cast %add3A_468 : vector<16xf32> to vector<16xf32>
      tpu.vector_store %arg6[%swap3A_469], %swap3A_472 {strides = array<i32>} : memref<2048xf32, #tpu.memory_space<vmem>>, vector<16xf32>,
      %scan3A_473 = arith.constant 0 : i32
      scf.yield %scan3A_473 : i32
    }
    %scan3A_52 = arith.constant 32 : i32
    "tpu.region"() ({
      %run_scoped3A = tpu.sem_alloc : memref<!tpu.dma_semaphore, #tpu.memory_space<semaphore_mem>>
      %dma_start3A_53 = arith.constant 0 : i32
      %dma_start3A_54 = tpu.memref_slice %arg3[%select_n3A, %select_n3A_30, %dma_start3A_53] : memref<4x8x2048xf32, #tpu.memory_space<hbm>> -> memref<1x1x2048xf32, #tpu.memory_space<hbm>>
      %dma_start3A_55 = tpu.memref_squeeze %dma_start3A_54 : memref<1x1x2048xf32, #tpu.memory_space<hbm>> -> memref<2048xf32, #tpu.memory_space<hbm>>
      %dma_start3A_56 = arith.constant 0 : i32
      %dma_start3A_57 = tpu.memref_slice %arg3[%select_n3A, %select_n3A_30, %dma_start3A_56] : memref<4x8x2048xf32, #tpu.memory_space<hbm>> -> memref<1x1x2048xf32, #tpu.memory_space<hbm>>
      %dma_start3A_58 = tpu.memref_squeeze %dma_start3A_57 : memref<1x1x2048xf32, #tpu.memory_space<hbm>> -> memref<2048xf32, #tpu.memory_space<hbm>>
      tpu.enqueue_dma source(%arg6 : memref<2048xf32, #tpu.memory_space<vmem>>) target(%dma_start3A_58 : memref<2048xf32, #tpu.memory_space<hbm>>) target_semaphore(%run_scoped3A : memref<!tpu.dma_semaphore, #tpu.memory_space<semaphore_mem>>)
      %dma_wait3A_59 = arith.constant 0 : i32
      %dma_wait3A_60 = tpu.memref_slice %arg3[%select_n3A, %select_n3A_30, %dma_wait3A_59] : memref<4x8x2048xf32, #tpu.memory_space<hbm>> -> memref<1x1x2048xf32, #tpu.memory_space<hbm>>
      %dma_wait3A_61 = tpu.memref_squeeze %dma_wait3A_60 : memref<1x1x2048xf32, #tpu.memory_space<hbm>> -> memref<2048xf32, #tpu.memory_space<hbm>>
      %dma_wait3A_62 = arith.constant 0 : i32
      %dma_wait3A_63 = tpu.memref_slice %arg3[%select_n3A, %select_n3A_30, %dma_wait3A_62] : memref<4x8x2048xf32, #tpu.memory_space<hbm>> -> memref<1x1x2048xf32, #tpu.memory_space<hbm>>
      %dma_wait3A_64 = tpu.memref_squeeze %dma_wait3A_63 : memref<1x1x2048xf32, #tpu.memory_space<hbm>> -> memref<2048xf32, #tpu.memory_space<hbm>>
      tpu.wait_dma2 semaphore(%run_scoped3A : memref<!tpu.dma_semaphore, #tpu.memory_space<semaphore_mem>>) src(%arg6 : memref<2048xf32, #tpu.memory_space<vmem>>) dst(%dma_wait3A_64 : memref<2048xf32, #tpu.memory_space<hbm>>)
      tpu.yield
    }) : () -> ()
    return
  }
}

module attributes {stable_mosaic.version = 14 : i64} {
  func.func @_tc_part(%arg0: i32, %arg1: memref<4x128x2048xf32, #tpu.memory_space<vmem>>, %arg2: memref<500x2048xf32, #tpu.memory_space<vmem>>, %arg3: memref<48x500xf32, #tpu.memory_space<vmem>>, %arg4: memref<48x1xf32, #tpu.memory_space<vmem>>, %arg5: memref<4x2048xf32, #tpu.memory_space<vmem>>, %arg6: memref<48x2048xf32, #tpu.memory_space<vmem>>, %arg7: memref<48x2048xf32, #tpu.memory_space<vmem>>, %arg8: memref<4x2048xf32, #tpu.memory_space<vmem>>) attributes {dimension_semantics = [#tpu.dimension_semantics<arbitrary>], iteration_bounds = array<i64: 63>, scalar_prefetch = 0 : i64, scratch_operands = 1 : i64, tpu.core_type = #tpu.core_type<tc>, window_params = [{transform_indices = @transform_0, window_bounds = array<i64: 4, 128, 2048>}, {pipeline_mode = #tpu.pipeline_mode<synchronous>, transform_indices = @transform_1, window_bounds = array<i64: 500, 2048>}, {pipeline_mode = #tpu.pipeline_mode<synchronous>, transform_indices = @transform_2, window_bounds = array<i64: 48, 500>}, {pipeline_mode = #tpu.pipeline_mode<synchronous>, transform_indices = @transform_3, window_bounds = array<i64: 48, 1>}, {pipeline_mode = #tpu.pipeline_mode<synchronous>, transform_indices = @transform_4, window_bounds = array<i64: 4, 2048>}, {pipeline_mode = #tpu.pipeline_mode<synchronous>, transform_indices = @transform_5, window_bounds = array<i64: 48, 2048>}, {pipeline_mode = #tpu.pipeline_mode<synchronous>, transform_indices = @transform_6, window_bounds = array<i64: 48, 2048>}]} {
    %eq3A = arith.constant 0 : i32
    %eq3A_0 = arith.cmpi eq, %arg0, %eq3A : i32
    %convert_element_type3A = arith.extui %eq3A_0 : i1 to i32
    %cond3A = arith.constant 0 : i32
    %cond3A_1 = arith.cmpi ne, %convert_element_type3A, %cond3A : i32
    scf.if %cond3A_1 {
      %broadcast_in_dim3A = arith.constant 0.000000e+00 : f32
      %broadcast_in_dim3A_16 = vector.broadcast %broadcast_in_dim3A : f32 to vector<4x2048xf32>
      %swap3A_17 = arith.constant 0 : index
      %swap3A_18 = arith.constant 0 : index
      %swap3A_19 = vector.load %arg8[%swap3A_17, %swap3A_18] : memref<4x2048xf32, #tpu.memory_space<vmem>>, vector<4x2048xf32>
      tpu.vector_store %arg8[%swap3A_17, %swap3A_18], %broadcast_in_dim3A_16 {strides = array<i32>} : memref<4x2048xf32, #tpu.memory_space<vmem>>, vector<4x2048xf32>,
      %get3A_20 = arith.constant 0 : index
      %get3A_21 = arith.constant 0 : index
      %get3A_22 = vector.load %arg3[%get3A_20, %get3A_21] : memref<48x500xf32, #tpu.memory_space<vmem>>, vector<48x500xf32>
      %get3A_23 = arith.constant 0 : index
      %get3A_24 = arith.constant 0 : index
      %get3A_25 = vector.load %arg2[%get3A_23, %get3A_24] : memref<500x2048xf32, #tpu.memory_space<vmem>>, vector<500x2048xf32>
      %dot_general3A = arith.constant dense<0.000000e+00> : vector<48x2048xf32>
      %dot_general3A_26 = tpu.matmul %get3A_22, %get3A_25, %dot_general3A {dimension_numbers = #tpu.dot_dimension_numbers<[1], [0], [0], [1], [0, 0, 1, 1], [], []>, transpose_lhs_hint = false} : vector<48x500xf32>, vector<500x2048xf32>, vector<48x2048xf32> -> vector<48x2048xf32>
      %get3A_27 = arith.constant 0 : index
      %get3A_28 = arith.constant 0 : index
      %get3A_29 = vector.load %arg4[%get3A_27, %get3A_28] : memref<48x1xf32, #tpu.memory_space<vmem>>, vector<48x1xf32>
      %add3A_30 = vector.broadcast %get3A_29 : vector<48x1xf32> to vector<48x2048xf32>
      %add3A_31 = arith.addf %dot_general3A_26, %add3A_30 : vector<48x2048xf32>
      %mul3A = arith.mulf %add3A_31, %add3A_31 : vector<48x2048xf32>
      %reduce_sum3A_32 = arith.constant dense<0.000000e+00> : vector<48xf32>
      %reduce_sum3A_33 = vector.multi_reduction <add>, %mul3A, %reduce_sum3A_32 [1] : vector<48x2048xf32> to vector<48xf32>
      %broadcast_in_dim3A_34 = vector.shape_cast %reduce_sum3A_33 : vector<48xf32> to vector<48x1xf32>
      %swap3A_35 = arith.constant 0 : index
      %swap3A_36 = arith.constant 0 : index
      %swap3A_37 = vector.load %arg6[%swap3A_35, %swap3A_36] : memref<48x2048xf32, #tpu.memory_space<vmem>>, vector<48x2048xf32>
      tpu.vector_store %arg6[%swap3A_35, %swap3A_36], %add3A_31 {strides = array<i32>} : memref<48x2048xf32, #tpu.memory_space<vmem>>, vector<48x2048xf32>,
      %max3A = arith.constant 9.99999996E-13 : f32
      %max3A_38 = vector.broadcast %max3A : f32 to vector<48x1xf32>
      %max3A_39 = arith.maximumf %broadcast_in_dim3A_34, %max3A_38 : vector<48x1xf32>
      %rsqrt3A = math.rsqrt %max3A_39 : vector<48x1xf32>
      %mul3A_40 = vector.broadcast %rsqrt3A : vector<48x1xf32> to vector<48x2048xf32>
      %mul3A_41 = arith.mulf %add3A_31, %mul3A_40 : vector<48x2048xf32>
      %swap3A_42 = arith.constant 0 : index
      %swap3A_43 = arith.constant 0 : index
      %swap3A_44 = vector.load %arg7[%swap3A_42, %swap3A_43] : memref<48x2048xf32, #tpu.memory_space<vmem>>, vector<48x2048xf32>
      tpu.vector_store %arg7[%swap3A_42, %swap3A_43], %mul3A_41 {strides = array<i32>} : memref<48x2048xf32, #tpu.memory_space<vmem>>, vector<48x2048xf32>,
    } else {
    }
    %get3A = arith.constant 0 : index
    %get3A_2 = arith.constant 0 : index
    %get3A_3 = vector.load %arg8[%get3A, %get3A_2] : memref<4x2048xf32, #tpu.memory_space<vmem>>, vector<4x2048xf32>
    %get3A_4 = arith.constant 0 : index
    %get3A_5 = arith.constant 0 : index
    %get3A_6 = arith.constant 0 : index
    %get3A_7 = vector.load %arg1[%get3A_4, %get3A_5, %get3A_6] : memref<4x128x2048xf32, #tpu.memory_space<vmem>>, vector<4x128x2048xf32>
    %reduce_sum3A = arith.constant dense<0.000000e+00> : vector<4x2048xf32>
    %reduce_sum3A_8 = vector.multi_reduction <add>, %get3A_7, %reduce_sum3A [1] : vector<4x128x2048xf32> to vector<4x2048xf32>
    %add3A = arith.addf %get3A_3, %reduce_sum3A_8 : vector<4x2048xf32>
    %swap3A = arith.constant 0 : index
    %swap3A_9 = arith.constant 0 : index
    %swap3A_10 = vector.load %arg8[%swap3A, %swap3A_9] : memref<4x2048xf32, #tpu.memory_space<vmem>>, vector<4x2048xf32>
    tpu.vector_store %arg8[%swap3A, %swap3A_9], %add3A {strides = array<i32>} : memref<4x2048xf32, #tpu.memory_space<vmem>>, vector<4x2048xf32>,
    %eq3A_11 = arith.constant 62 : i32
    %eq3A_12 = arith.cmpi eq, %arg0, %eq3A_11 : i32
    %convert_element_type3A_13 = arith.extui %eq3A_12 : i1 to i32
    %cond3A_14 = arith.constant 0 : i32
    %cond3A_15 = arith.cmpi ne, %convert_element_type3A_13, %cond3A_14 : i32
    scf.if %cond3A_15 {
      %get3A_16 = arith.constant 0 : index
      %get3A_17 = arith.constant 0 : index
      %get3A_18 = vector.load %arg8[%get3A_16, %get3A_17] : memref<4x2048xf32, #tpu.memory_space<vmem>>, vector<4x2048xf32>
      %swap3A_19 = arith.constant 0 : index
      %swap3A_20 = arith.constant 0 : index
      %swap3A_21 = vector.load %arg5[%swap3A_19, %swap3A_20] : memref<4x2048xf32, #tpu.memory_space<vmem>>, vector<4x2048xf32>
      tpu.vector_store %arg5[%swap3A_19, %swap3A_20], %get3A_18 {strides = array<i32>} : memref<4x2048xf32, #tpu.memory_space<vmem>>, vector<4x2048xf32>,
    } else {
    }
    return
  }
  func.func @transform_0(%arg0: i32) -> (i32, i32, i32) {
    %c0_i32 = arith.constant 0 : i32
    %c0_i32_0 = arith.constant 0 : i32
    %c0_i32_1 = arith.constant 0 : i32
    return %c0_i32, %arg0, %c0_i32_0 : i32, i32, i32
  }
  func.func @transform_1(%arg0: i32) -> (i32, i32) {
    %c0_i32 = arith.constant 0 : i32
    %c0_i32_0 = arith.constant 0 : i32
    %c0_i32_1 = arith.constant 0 : i32
    return %c0_i32, %c0_i32_0 : i32, i32
  }
  func.func @transform_2(%arg0: i32) -> (i32, i32) {
    %c0_i32 = arith.constant 0 : i32
    %c0_i32_0 = arith.constant 0 : i32
    %c0_i32_1 = arith.constant 0 : i32
    return %c0_i32, %c0_i32_0 : i32, i32
  }
  func.func @transform_3(%arg0: i32) -> (i32, i32) {
    %c0_i32 = arith.constant 0 : i32
    %c0_i32_0 = arith.constant 0 : i32
    %c0_i32_1 = arith.constant 0 : i32
    return %c0_i32, %c0_i32_0 : i32, i32
  }
  func.func @transform_4(%arg0: i32) -> (i32, i32) {
    %c0_i32 = arith.constant 0 : i32
    %c0_i32_0 = arith.constant 0 : i32
    %c0_i32_1 = arith.constant 0 : i32
    return %c0_i32, %c0_i32_0 : i32, i32
  }
  func.func @transform_5(%arg0: i32) -> (i32, i32) {
    %c0_i32 = arith.constant 0 : i32
    %c0_i32_0 = arith.constant 0 : i32
    %c0_i32_1 = arith.constant 0 : i32
    return %c0_i32, %c0_i32_0 : i32, i32
  }
  func.func @transform_6(%arg0: i32) -> (i32, i32) {
    %c0_i32 = arith.constant 0 : i32
    %c0_i32_0 = arith.constant 0 : i32
    %c0_i32_1 = arith.constant 0 : i32
    return %c0_i32, %c0_i32_0 : i32, i32
  }
}

</mosaic_0001>

<sc_bundles>
// kernel: kernel.4.cloned.1.call-start
scs
__scs_entry_jumppad:
0x0: {  	(pc) =	sbr.rel $0x88, $3  }
0x1: {  	(tag) =	ssettag $0x0;
	lr =	simm.s32 $0x1  }
0x2: {  	[smem:$0x3F9D] =	sst lr;
	_ =	strace $0xD0000000  }
0x3: {  	_ = 	snop  }
0x4: {  	_ = 	snop  }
0x5: {  	_ = 	snop  }
0x6: {  	_ = 	snop  }
0x7: {  	_ = 	snop  }
__scs_overlays_trampoline_lowered:
0x8: {  	[smem:$0x3FAC] =	sst s0  }
0x9: {  	[smem:$0x3FAD] =	sst s1  }
0xa: {  	[smem:$0x3FAE] =	sst s2  }
0xb: {  	[smem:$0x3FAF] =	sst s3  }
0xc: {  	[smem:$0x3FB0] =	sst s4  }
0xd: {  	[smem:$0x3FB1] =	sst s5  }
0xe: {  	[smem:$0x3FB2] =	sst s6  }
0xf: {  	[smem:$0x3FB3] =	sst s7  }
0x10: {  	[smem:$0x3FB4] =	sst s8  }
0x11: {  	[smem:$0x3FB5] =	sst s9;
	s0 =	simm.s32 @!p0 $0x0  }
0x12: {  	s1 =	sld [smem:$0x3F9B];
	s0 =	simm.s32 @p0 $0x1  }
0x13: {  	[smem:$0x3FB6] =	sst s0;
	s0 =	simm.s32 @!p1 $0x0  }
0x14: {  	s2 =	sld [smem:$0x3F9A];
	s0 =	simm.s32 @p1 $0x1  }
0x15: {  	[smem:$0x3FB7] =	sst s0;
	s0 =	simm.s32 @!p2 $0x0  }
0x16: {  	s3 =	sld [smem:$0x3FDB];
	s0 =	simm.s32 @p2 $0x1  }
0x17: {  	s4 =	simm.s32 $0x1BF5;
	[smem:$0x3FB9] =	sst s0  }
0x18: {  	s0 =	sld [smem:$0x3F9C];
	_ =	swait.ge [sflag:s4], $0x0  }
0x19: {  	s7 =	sld [smem:$0x3F9D]  }
0x1a: {  	s8 =	sadd.s32 $0xFFFFE003, lr  }
0x1b: {  	s9 =	sadd.s32 $0xFFFFFEF7, lr;
	s5 =	simm.s32 $0xFFFFFFFF;
	p2 =	slt.u32 s8, $0xFFFFF086  }
0x1c: {  	p1 =	slt.u32 s9, $0xF7A;
	s5 =	simm.s32 @!p2 $0x0  }
0x1d: {  	s5 =	simm.s32 @p1 $0x1;
	p0 =	seq.s32 s7, s2  }
0x1e: {  	s7 =	smul.u32 @!p0 $0xF7A, s2;
	p2 =	seq.s32 @!p0 s5, $0x0  }
0x1f: {  	s9 =	smul.u32 $0xF7A, s1;
	s8 =	simm.s32 @!p0 $0x1BF5;
	p2 =	por !p2, p0  }
0x20: {  	[sflag:s8] =	ssyncset.s32 @!p0 $0xFFFFF086;
	s6 =	sadd.s32 @!p0 s3, s7;
	s7 =	simm.s32 @!p0 $0x108  }
0x21: {  	s3 =	sadd.s32 s3, s9;
	s6 =	sadd.s32 @!p0 $0x88, s6;
	s7 =	simm.s32 @p2 $0x1082  }
0x22: {  	[simem:s7], [sflag:s8] =	dma.local @!p0 [hbm:s6], $0xF7A  }
0x23: {  	s9 =	sor.u32 $0xD0000000, s2;
	s6 =	simm.s32 $0x108;
	_ =	swait.ge @!p0 [sflag:s8], $0x0  }
0x24: {  	s3 =	sadd.s32 $0x88, s3;
	s6 =	simm.s32 @!p1 $0x1082;
	[sflag:s4] =	ssyncset.s32 $0xFFFFF086  }
0x25: {  	[simem:s6], [sflag:s4] =	dma.local [hbm:s3], $0xF7A  }
0x26: {  	[smem:$0x3F9D] =	sst s1;
	(tag) =	ssettag s2;
	_ =	strace s9  }
0x27: {  	s1 =	sld [smem:$0x3FAD]  }
0x28: {  	s2 =	sld [smem:$0x3FAE]  }
0x29: {  	s4 =	sld [smem:$0x3FB0]  }
0x2a: {  	p0 =	seq.s32 s5, $0x0;
	s5 =	sld [smem:$0x3FB1]  }
0x2b: {  	s6 =	sld [smem:$0x3FB2]  }
0x2c: {  	s7 =	sld [smem:$0x3FB3]  }
0x2d: {  	s3 =	simm.s32 $0x108;
	s8 =	sld [smem:$0x3FB4]  }
0x2e: {  	s3 =	simm.s32 @!p0 $0x1082;
	s9 =	sld [smem:$0x3FB5]  }
0x2f: {  	lr =	sadd.s32 s0, s3;
	s0 =	sld [smem:$0x3FAC]  }
0x30: {  	s3 =	sld [smem:$0x3FAF]  }
0x31: {  	[smem:$0x3FB8] =	sst s10  }
0x32: {  	s10 =	sld [smem:$0x3FB6];
	_ =	sdelay $0x3  }
0x33: {  	p0 =	seq.s32 s10, $0x1;
	s10 =	sld [smem:$0x3FB8];
	_ =	sdelay $0x3  }
0x34: {  	[smem:$0x3FB8] =	sst s10  }
0x35: {  	s10 =	sld [smem:$0x3FB7];
	_ =	sdelay $0x3  }
0x36: {  	p1 =	seq.s32 s10, $0x1;
	s10 =	sld [smem:$0x3FB8];
	_ =	sdelay $0x3  }
0x37: {  	[smem:$0x3FB8] =	sst s10  }
0x38: {  	s10 =	sld [smem:$0x3FB9]  }
0x39: {  	_ = 	snop;
	(pc) =	sbr.ind lr, $3  }
0x3a: {  	_ = 	snop  }
0x3b: {  	_ = 	snop  }
0x3c: {  	p2 =	seq.s32 s10, $0x1;
	s10 =	sld [smem:$0x3FB8]  }
0x3d: {  	_ =	shalt  }
0x3e: {  	_ =	shalt  }
0x3f: {  	_ =	shalt  }
0x40: {  	_ =	shalt  }
0x41: {  	_ =	shalt  }
0x42: {  	_ =	shalt  }
0x43: {  	_ =	shalt  }
0x44: {  	_ =	shalt  }
0x45: {  	_ =	shalt  }
0x46: {  	_ =	shalt  }
0x47: {  	_ =	shalt  }
0x48: {  	_ =	shalt  }
0x49: {  	_ =	shalt  }
0x4a: {  	_ =	shalt  }
0x4b: {  	_ =	shalt  }
0x4c: {  	_ =	shalt  }
0x4d: {  	_ =	shalt  }
0x4e: {  	_ =	shalt  }
0x4f: {  	_ =	shalt  }
0x50: {  	_ =	shalt  }
0x51: {  	_ =	shalt  }
0x52: {  	_ =	shalt  }
0x53: {  	_ =	shalt  }
0x54: {  	_ =	shalt  }
0x55: {  	_ =	shalt  }
0x56: {  	_ =	shalt  }
0x57: {  	_ =	shalt  }
0x58: {  	_ =	shalt  }
0x59: {  	_ =	shalt  }
0x5a: {  	_ =	shalt  }
0x5b: {  	_ =	shalt  }
0x5c: {  	_ =	shalt  }
0x5d: {  	_ =	shalt  }
0x5e: {  	_ =	shalt  }
0x5f: {  	_ =	shalt  }
0x60: {  	_ =	shalt  }
0x61: {  	_ =	shalt  }
0x62: {  	_ =	shalt  }
0x63: {  	_ =	shalt  }
0x64: {  	_ =	shalt  }
0x65: {  	_ =	shalt  }
0x66: {  	_ =	shalt  }
0x67: {  	_ =	shalt  }
0x68: {  	_ =	shalt  }
0x69: {  	_ =	shalt  }
0x6a: {  	_ =	shalt  }
0x6b: {  	_ =	shalt  }
0x6c: {  	_ =	shalt  }
0x6d: {  	_ =	shalt  }
0x6e: {  	_ =	shalt  }
0x6f: {  	_ =	shalt  }
0x70: {  	_ =	shalt  }
0x71: {  	_ =	shalt  }
0x72: {  	_ =	shalt  }
0x73: {  	_ =	shalt  }
0x74: {  	_ =	shalt  }
0x75: {  	_ =	shalt  }
0x76: {  	_ =	shalt  }
0x77: {  	_ =	shalt  }
0x78: {  	_ =	shalt  }
0x79: {  	_ =	shalt  }
0x7a: {  	_ =	shalt  }
0x7b: {  	_ =	shalt  }
0x7c: {  	_ =	shalt  }
0x7d: {  	_ =	shalt  }
0x7e: {  	_ =	shalt  }
0x7f: {  	_ =	shalt  }
0x80: {  	_ =	shalt  }
0x81: {  	_ =	shalt  }
0x82: {  	_ =	shalt  }
0x83: {  	_ =	shalt  }
0x84: {  	_ =	shalt  }
0x85: {  	_ =	shalt  }
0x86: {  	_ =	shalt  }
0x87: {  	_ =	shalt  }
.Lfunc_end0:
.L_simem_size_0:
called_computation_lowered:
.L_overlay_start_0:
0x88: {  	s2 =	sld [smem:$0x3FD9]  }
0x89: {  	s3 =	sld [smem:$0x3FFE];
	_ =	sdelay $0x1  }
0x8a: {  	s1 =	srdreg.scid  }
0x8b: {  	s0 =	sand.u32 $0x1, s1  }
0x8c: {  	s17 =	sshll.u32 s0, $0xA;
	s2 =	sadd.s32 s3, s2  }
0x8d: {  	s2 =	sadd.s32 s2, s17  }
0x8e: {  	[smem:$0x3FC4] =	sst s2  }
0x8f: {  	_ = 	snop  }
0x90: {  	s2 =	sld [smem:$0x3FC9];
	(tm) =	ssettm $0x1  }
0x91: {  	s18 =	sld [smem:$0x3FFB];
	_ =	sdelay $0x3  }
0x92: {  	_ =	strace s18  }
0x93: {  	s3 =	sld [smem:$0x3FFC];
	_ =	sdelay $0x3  }
0x94: {  	_ =	strace s3  }
0x95: {  	s3 =	sld [smem:$0x3FFD];
	_ =	sdelay $0x3  }
0x96: {  	_ =	strace s3  }
0x97: {  	_ =	strace $0x8FFFFFFF  }
0x98: {  	s19 =	sld [smem:$0x3FDB];
	_ =	sdelay $0x1  }
0x99: {  	s4 =	simm.s32 $_scs_section_size  }
0x9a: {  	s5 =	simm.s32 $_size__tile_overlayer_lowered;
	s6 =	simm.s32 $_tile_overlayer_lowered  }
0x9b: {  	s22 =	simm.s32 $0x1BFF;
	s21 =	sshll.u32 s6, $0x1;
	s3 =	sadd.s32 s4, s19  }
0x9c: {  	s7 =	simm.s32 $0x0;
	s20 =	sshll.u32 s5, $0x1;
	s5 =	sadd.s32 s21, s3  }
0x9d: {  	[timem:s7], [sflag:s22] =	dma.local [hbm:s5], s20  }
0x9e: {  	_ =	swait.ge [sflag:s22], s20  }
0x9f: {  	s4 =	ssub.s32 $0x0, s20;
	[sflag:s22] =	ssyncset.done $0x0  }
0xa0: {  	[sflag:s22] =	ssyncadd.s32 s4;
	_ =	sdelay $0x1  }
0xa1: {  	s23 =	simm.s32 $0x1B8B  }
0xa2: {  	_ =	swait.ge [sflag:s23], $0x1  }
0xa3: {  	[sflag:s23] =	ssyncset.done $0x0  }
0xa4: {  	s25 =	simm.s32 $0x1B8E;
	s24 =	sld [smem:$0x3FFE];
	[sflag:s23] =	ssyncadd.s32 $0xFFFFFFFF  }
0xa5: {  	s26 =	simm.s32 $execute0_lowered;
	[smem:$0x3FD2] =	sst s25  }
0xa6: {  	s5 =	sshll.u32 s26, $0x1;
	_ =	strace $0x80000046;
	[dreg:$0x1] =	wrdreg $0xFFFFFFFF  }
0xa7: {  	s28 =	simm.s32 $_size_execute0_lowered;
	s3 =	sadd.s32 s3, s5;
	[dreg:$0x0] =	wrdreg $0x0  }
0xa8: {  	s5 =	sshll.u32 s28, $0x1;
	[dreg:$0x2] =	wrdreg s3  }
0xa9: {  	[dreg:$0x3] =	wrdreg s5  }
0xaa: {  	[dreg:$0x4] =	wrdreg $0xC0  }
0xab: {  	_ =	task [dreg:s7], $0x5FFFF  }
0xac: {  	[dreg:$0x1] =	wrdreg $0xFFFFFFFF  }
0xad: {  	[dreg:$0x0] =	wrdreg $0x60  }
0xae: {  	[dreg:$0x2] =	wrdreg s2  }
0xaf: {  	[dreg:$0x3] =	wrdreg s24  }
0xb0: {  	[dreg:$0x4] =	wrdreg $0x9  }
0xb1: {  	_ =	task.clear_ibuf [dreg:s7], $0x5FFFF;
	_ =	strace $0x90000046  }
0xb2: {  	s29 =	simm.s32 $0x9;
	_ =	strace $0x80000048  }
0xb3: {  	_ =	swait.ge [sflag:s29], $0x1  }
0xb4: {  	[sflag:s29] =	ssyncadd.s32 $0xFFFFFFFF  }
0xb5: {  	_ =	strace $0x90000048  }
0xb6: {  	_ =	sfence  }
0xb7: {  	s30 =	sld [smem:$0x0];
	_ =	sdelay $0x2  }
0xb8: {  	s31 =	sshll.u32 s1, $0xD;
	s1 =	sshrl.u32 s1, $0x2  }
0xb9: {  	s3 =	sand.u32 $0x4000, s31;
	s1 =	sadd.s32 s1, s30  }
0xba: {  	s0 =	sor.u32 s3, s0;
	s1 =	sshll.u32 s1, $0x11  }
0xbb: {  	s0 =	sor.u32 s1, s0  }
0xbc: {  	s0 =	sadd.s32 $0x8F2B, s0  }
0xbd: {  	[sflag:s0] =	ssyncadd.remote.s32 $0x1  }
0xbe: {  	_ =	sfence.sel $0xFFFF  }
0xbf: {  	[dreg:$0x0] =	wrdreg $0xFFFFFFFF;
	(pc) =	sbr.abs _section_cstart, $3  }
0xc0: {  	[dreg:$0x1] =	wrdreg $0xFFFFFFFF  }
0xc1: {  	_ =	task.clear_ibuf [dreg:s7], $0x2FFFF;
	_ =	strace $0x9FFFFFFF  }
0xc2: {  	(tm) =	ssettm $0x7FFFFFFF  }
0xc3: {  	_ =	shalt  }
tec
execute0_lowered:
.L_overlay_start_1:
0x0: {  	(tag) =	ssettag $0x1  }
0x1: {  	s3 =	rddreg [dreg:$0x0]  }
0x2: {  	s4 =	rddreg [dreg:$0x1]  }
0x3: {  	s0 =	rddreg [dreg:$0x2]  }
0x4: {  	s2 =	simm.s32 $0x0;
	s1 =	stileid.u32;
	s6 =	srdreg.scid  }
0x5: {  	s10 =	simm.s32 $0x2;
	s11 =	simm.s32 $0x0;
	[smem:$0x7FF] =	sst s2  }
0x6: {  	s5 =	sshrl.u32 s1, $0x2;
	s6 =	sand.u32 $0x1, s6;
	s8 =	sshll.u32 s1, $0x1  }
0x7: {  	_ =	strace $0x80000047;
	s7 =	sshll.u32 s5, $0xB;
	s29 =	ssub.s32 $0x2, s6  }
0x8: {  	s8 =	sand.u32 $0x6, s8;
	s5 =	sshll.u32 s5, $0x15;
	s4 =	sadd.s32 s7, s4  }
0x9: {  	s9 =	sshrl.u32 s29, $0x1;
	s6 =	sor.u32 s6, s8;
	s3 =	sadd.s32 s5, s3  }
0xa: {  	s7 =	simm.s32 $0x80;
	s8 =	sshll.u32 s6, $0xC;
	s30 =	sshll.u32 s6, $0x4  }
0xb: {  	s31 =	ssub.s32 s29, s9;
	s6 =	simm.s32 $0x1;
	s9 =	simm.s32 $0x8000  }
0xc: {  	s3 =	sadd.s32 s8, s3;
	s4 =	sadd.s32 s30, s4;
	s5 =	smax.u32 s31, $0x1  }
0xd: {  	s8 =	simm.s32 $0x400;
	s3 =	sadd.s32 $0x1F8000, s3;
	s4 =	sadd.s32 $0xC00, s4  }
.LBB2_1:
0xe: {  	[tilespmem:s2], [sflag:$0x1] =	stream.linear.gather [hbm4b:s3+s2], $0x8000, $0x38;
	[tilespmem:$0x8800] =	vst v63  }
0xf: {  	_ =	swait.ge [sflag:s6], $0x8000  }
0x10: {  	s12 =	simm.s32 $0x8000;
	[sflag:s6] =	ssyncset.done $0x0  }
0x11: {  	s13 =	simm.s32 $0x0;
	s14 =	simm.s32 $0x0;
	[sflag:s6] =	ssyncadd.s32 $0xFFFF8000  }
.LBB2_2:
0x12: {  	s17 =	sand.u32 $0x40, s14;
	s15 =	sand.u32 $0x3C00, s13  }
0x13: {  	s18 =	sor.u32 s17, s15  }
0x14: {  	v0 =	vld [tilespmem:s18+$0x0]  }
0x15: {  	v1 =	vld [tilespmem:s18+$0x80]  }
0x16: {  	v2 =	vld [tilespmem:s18+$0x100]  }
0x17: {  	v3 =	vld [tilespmem:s18+$0x180]  }
0x18: {  	v4 =	vld [tilespmem:s18+$0x200]  }
0x19: {  	v5 =	vld [tilespmem:s18+$0x280]  }
0x1a: {  	s16 =	sor.u32 $0x4000, s15;
	v6 =	vld [tilespmem:s18+$0x300]  }
0x1b: {  	v7 =	vld [tilespmem:s18+$0x380];
	s19 =	sor.u32 s17, s16;
	s18 =	sor.u32 $0x4080, s15  }
0x1c: {  	v8 =	vld [tilespmem:s19+$0x0];
	s20 =	sor.u32 s17, s18;
	s19 =	sor.u32 $0x4100, s15  }
0x1d: {  	v9 =	vld [tilespmem:s20+$0x0];
	s21 =	sor.u32 s17, s19;
	s20 =	sor.u32 $0x4180, s15  }
0x1e: {  	v10 =	vld [tilespmem:s21+$0x0];
	s22 =	sor.u32 s17, s20;
	s21 =	sor.u32 $0x4200, s15  }
0x1f: {  	v11 =	vld [tilespmem:s22+$0x0];
	s23 =	sor.u32 s17, s21;
	s22 =	sor.u32 $0x4280, s15  }
0x20: {  	v12 =	vld [tilespmem:s23+$0x0];
	s24 =	sor.u32 s17, s22;
	s23 =	sor.u32 $0x4300, s15  }
0x21: {  	v13 =	vld [tilespmem:s24+$0x0];
	s25 =	sor.u32 s17, s23;
	s24 =	sor.u32 $0x4380, s15  }
0x22: {  	v14 =	vld [tilespmem:s25+$0x0];
	s28 =	sor.u32 s17, s24  }
0x23: {  	v0 =	vadd.f32 v4, v0;
	v1 =	vadd.f32 v5, v1;
	v63 =	vld [tilespmem:s28+$0x0]  }
0x24: {  	v2 =	vadd.f32 v6, v2;
	v3 =	vadd.f32 v7, v3  }
0x25: {  	v0 =	vadd.f32 v8, v0;
	v1 =	vadd.f32 v9, v1  }
0x26: {  	v2 =	vadd.f32 v10, v2;
	v3 =	vadd.f32 v11, v3  }
0x27: {  	v0 =	vadd.f32 v12, v0;
	v1 =	vadd.f32 v13, v1  }
0x28: {  	v2 =	vadd.f32 v14, v2;
	v3 =	vadd.f32 v63, v3;
	_ =	sdelay $0x1  }
0x29: {  	v0 =	vadd.f32 v1, v0;
	v15 =	vadd.f32 v3, v2;
	_ =	sdelay $0x1  }
0x2a: {  	v0 =	vadd.f32 v15, v0  }
0x2b: {  	s26 =	sor.u32 $0x10, s17  }
0x2c: {  	s29 =	sor.u32 s26, s15;
	[tilespmem:s12+$0x0] =	vst v0  }
0x2d: {  	v0 =	vld [tilespmem:s29+$0x0]  }
0x2e: {  	v16 =	vld [tilespmem:s29+$0x80]  }
0x2f: {  	v17 =	vld [tilespmem:s29+$0x100]  }
0x30: {  	v18 =	vld [tilespmem:s29+$0x180]  }
0x31: {  	v19 =	vld [tilespmem:s29+$0x200]  }
0x32: {  	v20 =	vld [tilespmem:s29+$0x280]  }
0x33: {  	v21 =	vld [tilespmem:s29+$0x300]  }
0x34: {  	s30 =	sor.u32 s26, s16;
	v22 =	vld [tilespmem:s29+$0x380]  }
0x35: {  	s31 =	sor.u32 s26, s18;
	v23 =	vld [tilespmem:s30+$0x0]  }
0x36: {  	s28 =	sor.u32 s26, s19;
	v24 =	vld [tilespmem:s31+$0x0]  }
0x37: {  	v25 =	vld [tilespmem:s28+$0x0];
	s29 =	sor.u32 s26, s20  }
0x38: {  	s30 =	sor.u32 s26, s21;
	v26 =	vld [tilespmem:s29+$0x0]  }
0x39: {  	s31 =	sor.u32 s26, s22;
	v27 =	vld [tilespmem:s30+$0x0]  }
0x3a: {  	s28 =	sor.u32 s26, s23;
	v28 =	vld [tilespmem:s31+$0x0]  }
0x3b: {  	v29 =	vld [tilespmem:s28+$0x0];
	s29 =	sor.u32 s26, s24  }
0x3c: {  	v30 =	vld [tilespmem:s29+$0x0];
	v0 =	vadd.f32 v19, v0;
	v1 =	vadd.f32 v20, v16  }
0x3d: {  	v2 =	vadd.f32 v21, v17;
	v3 =	vadd.f32 v22, v18  }
0x3e: {  	v0 =	vadd.f32 v23, v0;
	v1 =	vadd.f32 v24, v1  }
0x3f: {  	v2 =	vadd.f32 v25, v2;
	v3 =	vadd.f32 v26, v3  }
0x40: {  	v0 =	vadd.f32 v27, v0;
	v1 =	vadd.f32 v28, v1  }
0x41: {  	v2 =	vadd.f32 v29, v2;
	v3 =	vadd.f32 v30, v3;
	_ =	sdelay $0x1  }
0x42: {  	v0 =	vadd.f32 v1, v0;
	v31 =	vadd.f32 v3, v2  }
0x43: {  	s30 =	sand.u32 $0x780, s14  }
0x44: {  	s25 =	sor.u32 $0x8000, s30;
	v0 =	vadd.f32 v31, v0  }
0x45: {  	s28 =	sor.u32 $0x20, s17;
	s26 =	sor.u32 s26, s25  }
0x46: {  	s31 =	sor.u32 s28, s15;
	[tilespmem:s26+$0x0] =	vst v0  }
0x47: {  	v0 =	vld [tilespmem:s31+$0x0]  }
0x48: {  	v32 =	vld [tilespmem:s31+$0x80]  }
0x49: {  	v33 =	vld [tilespmem:s31+$0x100]  }
0x4a: {  	v34 =	vld [tilespmem:s31+$0x180]  }
0x4b: {  	v35 =	vld [tilespmem:s31+$0x200]  }
0x4c: {  	v36 =	vld [tilespmem:s31+$0x280]  }
0x4d: {  	v37 =	vld [tilespmem:s31+$0x300]  }
0x4e: {  	s29 =	sor.u32 s28, s16;
	v38 =	vld [tilespmem:s31+$0x380]  }
0x4f: {  	s30 =	sor.u32 s28, s18;
	v39 =	vld [tilespmem:s29+$0x0]  }
0x50: {  	v40 =	vld [tilespmem:s30+$0x0];
	s31 =	sor.u32 s28, s19  }
0x51: {  	s29 =	sor.u32 s28, s20;
	v41 =	vld [tilespmem:s31+$0x0]  }
0x52: {  	s30 =	sor.u32 s28, s21;
	v42 =	vld [tilespmem:s29+$0x0]  }
0x53: {  	v43 =	vld [tilespmem:s30+$0x0];
	s31 =	sor.u32 s28, s22  }
0x54: {  	s29 =	sor.u32 s28, s23;
	v44 =	vld [tilespmem:s31+$0x0]  }
0x55: {  	s30 =	sor.u32 s28, s24;
	v45 =	vld [tilespmem:s29+$0x0]  }
0x56: {  	v46 =	vld [tilespmem:s30+$0x0];
	v0 =	vadd.f32 v35, v0;
	v1 =	vadd.f32 v36, v32  }
0x57: {  	v2 =	vadd.f32 v37, v33;
	v3 =	vadd.f32 v38, v34  }
0x58: {  	v0 =	vadd.f32 v39, v0;
	v1 =	vadd.f32 v40, v1  }
0x59: {  	v2 =	vadd.f32 v41, v2;
	v3 =	vadd.f32 v42, v3  }
0x5a: {  	v0 =	vadd.f32 v43, v0;
	v1 =	vadd.f32 v44, v1  }
0x5b: {  	v2 =	vadd.f32 v45, v2;
	v3 =	vadd.f32 v46, v3;
	_ =	sdelay $0x1  }
0x5c: {  	v0 =	vadd.f32 v1, v0;
	v47 =	vadd.f32 v3, v2;
	_ =	sdelay $0x1  }
0x5d: {  	v0 =	vadd.f32 v47, v0  }
0x5e: {  	s17 =	sor.u32 $0x30, s17;
	s31 =	sor.u32 s28, s25  }
0x5f: {  	s15 =	sor.u32 s17, s15;
	[tilespmem:s31+$0x0] =	vst v0  }
0x60: {  	v0 =	vld [tilespmem:s15+$0x0]  }
0x61: {  	v48 =	vld [tilespmem:s15+$0x80]  }
0x62: {  	v49 =	vld [tilespmem:s15+$0x100]  }
0x63: {  	v50 =	vld [tilespmem:s15+$0x180]  }
0x64: {  	v51 =	vld [tilespmem:s15+$0x200]  }
0x65: {  	v52 =	vld [tilespmem:s15+$0x280]  }
0x66: {  	v53 =	vld [tilespmem:s15+$0x300]  }
0x67: {  	s16 =	sor.u32 s17, s16;
	v54 =	vld [tilespmem:s15+$0x380]  }
0x68: {  	s18 =	sor.u32 s17, s18;
	v55 =	vld [tilespmem:s16+$0x0]  }
0x69: {  	s19 =	sor.u32 s17, s19;
	v56 =	vld [tilespmem:s18+$0x0]  }
0x6a: {  	s20 =	sor.u32 s17, s20;
	v57 =	vld [tilespmem:s19+$0x0]  }
0x6b: {  	s26 =	sor.u32 s17, s21;
	v58 =	vld [tilespmem:s20+$0x0]  }
0x6c: {  	s28 =	sor.u32 s17, s22;
	v59 =	vld [tilespmem:s26+$0x0]  }
0x6d: {  	s29 =	sor.u32 s17, s23;
	v60 =	vld [tilespmem:s28+$0x0]  }
0x6e: {  	s30 =	sor.u32 s17, s24;
	v61 =	vld [tilespmem:s29+$0x0]  }
0x6f: {  	v62 =	vld [tilespmem:s30+$0x0];
	v0 =	vadd.f32 v51, v0;
	v1 =	vadd.f32 v52, v48  }
0x70: {  	v2 =	vadd.f32 v53, v49;
	v3 =	vadd.f32 v54, v50  }
0x71: {  	v0 =	vadd.f32 v55, v0;
	v1 =	vadd.f32 v56, v1  }
0x72: {  	v2 =	vadd.f32 v57, v2;
	v3 =	vadd.f32 v58, v3  }
0x73: {  	v0 =	vadd.f32 v59, v0;
	v1 =	vadd.f32 v60, v1  }
0x74: {  	v2 =	vadd.f32 v61, v2;
	v3 =	vadd.f32 v62, v3  }
0x75: {  	p0 =	sne.s32 s14, $0x7C0  }
.Ltmp0:
0x76: {  	v0 =	vadd.f32 v1, v0;
	v63 =	vadd.f32 v3, v2;
	(pc) =	sbr.rel @p0 .LBB2_2-.Ltmp0, $4  }
0x77: {  	_ = 	snop  }
0x78: {  	v0 =	vadd.f32 v63, v0  }
0x79: {  	s31 =	sor.u32 s17, s25  }
0x7a: {  	s13 =	sadd.s32 $0x200, s13;
	s12 =	sadd.s32 $0x40, s12;
	s14 =	sadd.s32 $0x40, s14;
	[tilespmem:s31+$0x0] =	vst v0  }
0x7b: {  	s11 =	sadd.s32 $0x1, s11  }
0x7c: {  	p0 =	sne.s32 s11, s5  }
.Ltmp1:
0x7d: {  	_ = 	snop;
	(pc) =	sbr.rel @p0 .LBB2_1-.Ltmp1, $4  }
0x7e: {  	[hbm4b:s4+s7] =	stream.strided.scatter [tilespmem:s9], [sflag:$0x2], $0x800, s8, s7, $0x38;
	[tilespmem:$0x8800] =	vst v63  }
0x7f: {  	_ =	swait.ge [sflag:s10], $0x800  }
0x80: {  	[sflag:s10] =	ssyncset.done $0x0  }
0x81: {  	[sflag:s10] =	ssyncadd.s32 $0xFFFFF800  }
0x82: {  	_ =	sfence.sel $0x180000  }
0x83: {  	[bflag:$0x0] =	sbarrier.arrive $0xFFFF  }
0x84: {  	p0 =	sne.s32 s1, $0x0;
	_ =	strace $0x90000047  }
0x85: {  	s0 =	sadd.s32 @!p0 $0x100000, s0;
	[bflag:$0x2] =	sbarrier.arrive $0xFFFF  }
0x86: {  	[sflag:s0] =	ssyncadd.tile.s32 @!p0 $0x1;
	_ =	shalt  }
.Lfunc_end2:
_tile_overlayer_lowered:
.L_overlay_start_2:
0x87: {  	(tag) =	ssettag $0x2  }
0x88: {  	s0 =	rddreg [dreg:$0x0];
	s2 =	stileid.u32  }
0x89: {  	s1 =	rddreg [dreg:$0x1];
	p0 =	sne.s32 s2, $0x0  }
0x8a: {  	s3 =	rddreg [dreg:$0x2];
	[bflag:$0x3] =	sbarrier.arrive $0xFFFF;
	s2 =	simm.s32 @!p0 $0x1C02  }
0x8b: {  	[timem:s3], [sflag:s2] =	dma.local @!p0 [hbm:s0], s1  }
0x8c: {  	s0 =	simm.s32 @!p0 $0x2  }
0x8d: {  	_ =	swait.ge @!p0 [sflag:s0], s1  }
0x8e: {  	s1 =	ssub.s32 @!p0 $0x0, s1;
	[sflag:s0] =	ssyncset.done @!p0 $0x0  }
0x8f: {  	[sflag:s0] =	ssyncadd.s32 @!p0 s1  }
0x90: {  	[bflag:$0x3] =	sbarrier.arrive $0xFFFF  }
0x91: {  	_ =	shalt  }

</sc_bundles>
